<compile_context>
chip_gen: v7x
topology: tpu7x:2x2x1
jax: 0.10.2.dev20260603
libtpu: 0.0.44.dev20260713+nightly
codegen_flags: <defaults>
</compile_context>

<pallas_src>
import functools

import jax
import jax.numpy as jnp
from jax import lax
from jax.experimental import pallas as pl
from jax.experimental.pallas import tpu as pltpu
from jax.experimental.pallas import tpu_sc as plsc

D = 768
E = 64
TOPK = 2
NG = 8
GS = E // NG
TG = 4
F = 256
FS = 512
SCALE = 2.5
T = 2048

TILE = 256
NT = E + (T * TOPK) // TILE
B = NT * TILE

NC = 2
NS = 16
NW = NC * NS
TPW = T // NW
VEC = 16


def _pack_halves(a):
    ai = lax.bitcast_convert_type(a[:, :D // 2], jnp.int32)
    bi = lax.bitcast_convert_type(a[:, D // 2:], jnp.int32)
    hi = (ai + 0x8000) & jnp.int32(-65536)
    lo = lax.shift_right_logical(bi + 0x8000, 16)
    return hi | lo


def _unpack_halves(w):
    fhi = lax.bitcast_convert_type(w & jnp.int32(-65536), jnp.float32)
    flo = lax.bitcast_convert_type(lax.shift_left(w, 16), jnp.float32)
    return jnp.concatenate([fhi, flo], axis=1)


def _router_body(x_ref, gw_ref, cb_ref, meta_ref, eot_ref, xp_ref):
    x = x_ref[...]
    xp_ref[...] = _pack_halves(x)
    logits = lax.dot_general(x, gw_ref[...], (((1,), (1,)), ((), ())),
                             preferred_element_type=jnp.float32)
    scores = jax.nn.sigmoid(logits)
    sfc = scores + cb_ref[...]

    lane = lax.broadcasted_iota(jnp.int32, (T, E), 1)
    grp_of_lane = lane // GS
    neg = jnp.float32(-jnp.inf)

    gs_full = jnp.zeros((T, E), jnp.float32)
    gcols = []
    m_incl = (lax.broadcasted_iota(jnp.int32, (E, E), 0) <=
              lax.broadcasted_iota(jnp.int32, (E, E), 1)).astype(jnp.float32)
    for g in range(NG):
        in_g = grp_of_lane == g
        seg = jnp.where(in_g, sfc, neg)
        m1 = jnp.max(seg, axis=1, keepdims=True)
        ismax = (seg == m1).astype(jnp.float32)
        csum = lax.dot_general(ismax, m_incl, (((1,), (0,)), ((), ())),
                               preferred_element_type=jnp.float32)
        first = (csum == 1.0) & (seg == m1)
        m2 = jnp.max(jnp.where(first, neg, seg), axis=1, keepdims=True)
        gsc = m1 + m2
        gcols.append(gsc)
        gs_full = jnp.where(in_g, gsc, gs_full)

    rank = jnp.zeros((T, E), jnp.int32)
    for gp in range(NG):
        sgp = gcols[gp]
        beats = (sgp > gs_full) | ((sgp == gs_full) & (gp < grp_of_lane))
        rank = rank + beats.astype(jnp.int32)
    em = rank < TG

    masked = jnp.where(em, sfc, neg)
    m1 = jnp.max(masked, axis=1, keepdims=True)
    id1 = jnp.min(jnp.where(masked == m1, lane, E), axis=1, keepdims=True)
    h1 = lane == id1
    masked2 = jnp.where(h1, neg, masked)
    m2 = jnp.max(masked2, axis=1, keepdims=True)
    id2 = jnp.min(jnp.where(masked2 == m2, lane, E), axis=1, keepdims=True)
    h2 = lane == id2

    w1 = jnp.sum(jnp.where(h1, scores, 0.0), axis=1, keepdims=True)
    w2 = jnp.sum(jnp.where(h2, scores, 0.0), axis=1, keepdims=True)
    s = w1 + w2 + 1e-20
    w1 = SCALE * w1 / s
    w2 = SCALE * w2 / s

    H = h1.astype(jnp.float32) + h2.astype(jnp.float32)
    BLK = 256
    tri = (lax.broadcasted_iota(jnp.int32, (BLK, BLK), 0) >
           lax.broadcasted_iota(jnp.int32, (BLK, BLK), 1)).astype(jnp.float32)
    run = jnp.zeros((8, E), jnp.float32)
    sparts = []
    for b in range(T // BLK):
        hb = lax.slice(H, (b * BLK, 0), ((b + 1) * BLK, E))
        sb = lax.dot_general(tri, hb, (((1,), (0,)), ((), ())),
                             preferred_element_type=jnp.float32)
        sparts.append(sb + run[0:1, :])
        run = run + jnp.sum(hb, axis=0, keepdims=True)
    S = jnp.concatenate(sparts, axis=0)
    counts = run

    tiles_per = jnp.floor((counts + (TILE - 1.0)) / TILE)
    m_strict = (lax.broadcasted_iota(jnp.int32, (E, E), 0) <
                lax.broadcasted_iota(jnp.int32, (E, E), 1)).astype(jnp.float32)
    tile_start = lax.dot_general(tiles_per, m_strict, (((1,), (0,)), ((), ())),
                                 preferred_element_type=jnp.float32)
    slot_start = tile_start[0:1, :] * TILE

    pos1 = jnp.sum(jnp.where(h1, slot_start + S, 0.0), axis=1, keepdims=True)
    pos2 = jnp.sum(jnp.where(h2, slot_start + S, 0.0), axis=1, keepdims=True)

    lane128 = lax.broadcasted_iota(jnp.int32, (T, 128), 1)
    meta = jnp.where(lane128 < 16, w1, 0.0)
    meta = jnp.where((lane128 >= 16) & (lane128 < 32), w2, meta)
    meta = jnp.where(lane128 == 32, pos1, meta)
    meta = jnp.where(lane128 == 33, pos2, meta)
    meta_ref[...] = meta

    jio = lax.broadcasted_iota(jnp.int32, (NT, E), 0).astype(jnp.float32)
    ts_b = jnp.broadcast_to(tile_start[0:1, :], (NT, E))
    eot = jnp.sum((ts_b <= jio).astype(jnp.int32), axis=1, keepdims=True) - 1
    ntiles = jnp.sum(tiles_per[0:1, :], axis=1, keepdims=True).astype(jnp.int32)
    eot2d = jnp.broadcast_to(eot, (NT, 128))
    lane_nt = lax.broadcasted_iota(jnp.int32, (NT, 128), 1)
    row_nt = lax.broadcasted_iota(jnp.int32, (NT, 128), 0)
    eot_ref[...] = jnp.where((lane_nt == 1) & (row_nt == 0),
                             jnp.broadcast_to(ntiles, (NT, 128)), eot2d)


def _router(x, gate_w, corr_bias_row):
    return pl.pallas_call(
        _router_body,
        out_shape=(
            jax.ShapeDtypeStruct((T, 128), jnp.float32),
            jax.ShapeDtypeStruct((NT, 128), jnp.int32),
            jax.ShapeDtypeStruct((T, D // 2), jnp.int32),
        ),
    )(x, gate_w, corr_bias_row)


@functools.lru_cache(maxsize=None)
def _build_sc_scatter():
    @functools.partial(
        pl.kernel,
        out_type=jax.ShapeDtypeStruct((B, D // 2), jnp.int32),
        mesh=plsc.VectorSubcoreMesh(core_axis_name="c", subcore_axis_name="s"),
        scratch_types=[
            pltpu.VMEM((TPW, D // 2), jnp.int32),
            pltpu.VMEM((TPW,), jnp.int32),
            pltpu.VMEM((TPW,), jnp.int32),
            pltpu.SemaphoreType.DMA,
        ],
    )
    def _sc_scatter(x_hbm, pos1_hbm, pos2_hbm, out_hbm, rows_v, idx1_v, idx2_v, sem):
        wid = lax.axis_index("s") * NC + lax.axis_index("c")
        base = wid * TPW
        pltpu.sync_copy(x_hbm.at[pl.ds(base, TPW)], rows_v)
        pltpu.sync_copy(pos1_hbm.at[pl.ds(base, TPW)], idx1_v)
        pltpu.sync_copy(pos2_hbm.at[pl.ds(base, TPW)], idx2_v)
        c1 = pltpu.async_copy(rows_v, out_hbm.at[idx1_v], sem)
        c2 = pltpu.async_copy(rows_v, out_hbm.at[idx2_v], sem)
        c1.wait()
        c2.wait()

    return _sc_scatter


def _gmm_body(eot_ref, nt_ref, xs_ref, wu_ref, wd_ref, out_ref):
    @pl.when(pl.program_id(0) < nt_ref[0])
    def _():
        xb = _unpack_halves(xs_ref[...]).astype(jnp.bfloat16)
        wu = wu_ref[0].astype(jnp.bfloat16)
        h = lax.dot_general(xb, wu, (((1,), (0,)), ((), ())),
                            preferred_element_type=jnp.float32)
        h = jnp.square(jnp.maximum(h, 0.0)).astype(jnp.bfloat16)
        wd = wd_ref[0].astype(jnp.bfloat16)
        out = lax.dot_general(h, wd, (((1,), (0,)), ((), ())),
                              preferred_element_type=jnp.float32)
        out_ref[...] = _pack_halves(out)


def _gmm(eot, nt, x_sorted, w_up, w_down):
    def clamp(i, nt):
        return jnp.minimum(i, nt[0] - 1)

    grid_spec = pltpu.PrefetchScalarGridSpec(
        num_scalar_prefetch=2,
        grid=(NT,),
        in_specs=[
            pl.BlockSpec((TILE, D // 2), lambda i, eot, nt: (clamp(i, nt), 0)),
            pl.BlockSpec((1, D, F), lambda i, eot, nt: (eot[clamp(i, nt)], 0, 0)),
            pl.BlockSpec((1, F, D), lambda i, eot, nt: (eot[clamp(i, nt)], 0, 0)),
        ],
        out_specs=pl.BlockSpec((TILE, D // 2), lambda i, eot, nt: (clamp(i, nt), 0)),
    )
    return pl.pallas_call(
        _gmm_body,
        grid_spec=grid_spec,
        out_shape=jax.ShapeDtypeStruct((B, D // 2), jnp.int32),
    )(eot, nt, x_sorted, w_up, w_down)


def _combine_shared_body(x_ref, wu_ref, wd_ref, r1_ref, r2_ref, meta_ref,
                         out_ref):
    xb = _unpack_halves(x_ref[...]).astype(jnp.bfloat16)
    h = lax.dot_general(xb, wu_ref[...].astype(jnp.bfloat16),
                        (((1,), (0,)), ((), ())),
                        preferred_element_type=jnp.float32)
    h = jnp.square(jnp.maximum(h, 0.0)).astype(jnp.bfloat16)
    sh = lax.dot_general(h, wd_ref[...].astype(jnp.bfloat16),
                         (((1,), (0,)), ((), ())),
                         preferred_element_type=jnp.float32)
    meta = meta_ref[...]
    w1 = meta[:, 0:1]
    w2 = meta[:, VEC:VEC + 1]
    r1 = _unpack_halves(r1_ref[...])
    r2 = _unpack_halves(r2_ref[...])
    out_ref[...] = sh + w1 * r1 + w2 * r2


def _combine_shared(x, ws_up, ws_down, r1, r2, meta):
    SB = 256
    return pl.pallas_call(
        _combine_shared_body,
        grid=(T // SB,),
        in_specs=[
            pl.BlockSpec((SB, D // 2), lambda i: (i, 0)),
            pl.BlockSpec((D, FS), lambda i: (0, 0)),
            pl.BlockSpec((FS, D), lambda i: (0, 0)),
            pl.BlockSpec((SB, D // 2), lambda i: (i, 0)),
            pl.BlockSpec((SB, D // 2), lambda i: (i, 0)),
            pl.BlockSpec((SB, 128), lambda i: (i, 0)),
        ],
        out_specs=pl.BlockSpec((SB, D), lambda i: (i, 0)),
        out_shape=jax.ShapeDtypeStruct((T, D), jnp.float32),
    )(x, ws_up, ws_down, r1, r2, meta)


@functools.lru_cache(maxsize=None)
def _build_sc_gather():
    @functools.partial(
        pl.kernel,
        out_type=(jax.ShapeDtypeStruct((T, D // 2), jnp.int32),
                  jax.ShapeDtypeStruct((T, D // 2), jnp.int32)),
        mesh=plsc.VectorSubcoreMesh(core_axis_name="c", subcore_axis_name="s"),
        scratch_types=[
            pltpu.VMEM((TPW, D // 2), jnp.int32),
            pltpu.VMEM((TPW, D // 2), jnp.int32),
            pltpu.VMEM((TPW,), jnp.int32),
            pltpu.VMEM((TPW,), jnp.int32),
            pltpu.SemaphoreType.DMA,
        ],
    )
    def _sc_gather(rows_hbm, pos1_hbm, pos2_hbm, r1_out, r2_out,
                   r1_v, r2_v, idx1_v, idx2_v, sem):
        wid = lax.axis_index("s") * NC + lax.axis_index("c")
        base = wid * TPW
        pltpu.sync_copy(pos1_hbm.at[pl.ds(base, TPW)], idx1_v)
        pltpu.sync_copy(pos2_hbm.at[pl.ds(base, TPW)], idx2_v)
        c1 = pltpu.async_copy(rows_hbm.at[idx1_v], r1_v, sem)
        c2 = pltpu.async_copy(rows_hbm.at[idx2_v], r2_v, sem)
        c1.wait()
        c2.wait()
        pltpu.sync_copy(r1_v, r1_out.at[pl.ds(base, TPW)])
        pltpu.sync_copy(r2_v, r2_out.at[pl.ds(base, TPW)])

    return _sc_gather


def kernel(hidden_states, gate_w, corr_bias, w_up, w_down, ws_up, ws_down):
    x = hidden_states
    meta, eot2d, x_packed = _router(x, gate_w, corr_bias.reshape(1, E))
    pos1 = meta[:, 32].astype(jnp.int32)
    pos2 = meta[:, 33].astype(jnp.int32)
    eot = eot2d[:, 0]
    nt = eot2d[0, 1:2]

    x_sorted = _build_sc_scatter()(x_packed, pos1, pos2)
    rows = _gmm(eot, nt, x_sorted, w_up, w_down)
    r1, r2 = _build_sc_gather()(rows, pos1, pos2)
    return _combine_shared(x_packed, ws_up, ws_down, r1, r2, meta)

# --- scband reference (transcript-rebuilt; emitter-appended) ---
"""Pipeline reference for scband-nemotron-hmo-e-52716428591170 (READ-ONLY COPY).

The authoritative reference and input builder live on the scoring server;
editing this copy changes nothing except your own understanding.
"""

import jax, jax.numpy as jnp
import numpy as np

D = 768
E = 64
TOPK = 2
NG = 8
TG = 4
F = 256
FS = 512
SCALE = 2.5
T = 2048


def setup_inputs(seed: int = 0) -> dict:
    key = jax.random.key(seed)
    ks = jax.random.split(key, 7)
    hidden_states = jax.random.normal(ks[0], (T, D), dtype=jnp.float32)
    gate_w = jax.random.normal(ks[1], (E, D), dtype=jnp.float32) * 0.02
    corr_bias = jax.random.normal(ks[2], (E,), dtype=jnp.float32) * 0.1
    w_up = jax.random.normal(ks[3], (E, D, F), dtype=jnp.float32) * 0.02
    w_down = jax.random.normal(ks[4], (E, F, D), dtype=jnp.float32) * 0.02
    ws_up = jax.random.normal(ks[5], (D, FS), dtype=jnp.float32) * 0.02
    ws_down = jax.random.normal(ks[6], (FS, D), dtype=jnp.float32) * 0.02
    return {
        "hidden_states": hidden_states,
        "gate_w": gate_w,
        "corr_bias": corr_bias,
        "w_up": w_up,
        "w_down": w_down,
        "ws_up": ws_up,
        "ws_down": ws_down,
    }


def reference(hidden_states, gate_w, corr_bias, w_up, w_down, ws_up, ws_down):
    x = hidden_states
    n_tok = x.shape[0]
    # gate in fp32, no bias
    router_logits = x.astype(jnp.float32) @ gate_w.T  # [T, E]
    # sigmoid scoring with e_score_correction_bias (DeepSeek-style grouped topk)
    scores = jax.nn.sigmoid(router_logits)
    scores_for_choice = scores + corr_bias[None, :]
    # group scores: sum of top-2 biased scores within each group
    grp = scores_for_choice.reshape(n_tok, NG, E // NG)
    grp_scores = jax.lax.top_k(grp, 2)[0].sum(axis=-1)  # [T, NG]
    _, grp_idx = jax.lax.top_k(grp_scores, TG)  # [T, TG]
    grp_mask = jnp.zeros((n_tok, NG), dtype=jnp.float32).at[
        jnp.arange(n_tok)[:, None], grp_idx
    ].set(1.0)
    expert_mask = jnp.repeat(grp_mask, E // NG, axis=1)  # [T, E]
    masked_scores = jnp.where(expert_mask > 0, scores_for_choice, -jnp.inf)
    _, topk_ids = jax.lax.top_k(masked_scores, TOPK)  # [T, K]
    # weights come from the un-biased sigmoid scores
    topk_w = jnp.take_along_axis(scores, topk_ids, axis=1)  # [T, K]
    # renormalize (norm_topk_prob=True)
    topk_w = topk_w / (topk_w.sum(axis=-1, keepdims=True) + 1e-20)
    # combine weights per expert
    cw = jnp.zeros((n_tok, E), dtype=jnp.float32).at[
        jnp.arange(n_tok)[:, None], topk_ids
    ].add(topk_w)

    def step(acc, inp):
        wu, wd, w = inp
        h = jnp.square(jax.nn.relu(x @ wu))  # ReLU^2, no gating mul
        return acc + w[:, None] * (h @ wd), None

    acc, _ = jax.lax.scan(
        step, jnp.zeros((n_tok, D), dtype=jnp.float32), (w_up, w_down, cw.T)
    )
    routed = acc * SCALE  # routed_scaling_factor (dtype != fp16 branch)
    shared = jnp.square(jax.nn.relu(x @ ws_up)) @ ws_down
    return routed + shared

if __name__ == "__main__":
    import jax
    _d = setup_inputs()
    print(jax.jit(kernel)(*tuple(_d.values())))

</pallas_src>

<mosaic_0001>
#map = affine_map<(d0, d1) -> (0, 0)>
#map1 = affine_map<(d0, d1) -> (0)>
module attributes {stable_mosaic.version = 14 : i64} {
  func.func @_sc_scatter(%arg0: i32, %arg1: i32, %arg2: memref<2048x384xi32, #tpu.memory_space<hbm>>, %arg3: memref<2048xi32, #tpu.memory_space<hbm>>, %arg4: memref<2048xi32, #tpu.memory_space<hbm>>, %arg5: memref<20480x384xi32, #tpu.memory_space<hbm>>, %arg6: memref<64x384xi32, #tpu.memory_space<vmem>>, %arg7: memref<64xi32, #tpu.memory_space<vmem>>, %arg8: memref<64xi32, #tpu.memory_space<vmem>>, %arg9: memref<!tpu.dma_semaphore, #tpu.memory_space<semaphore_mem>>) attributes {dimension_semantics = [#tpu.dimension_semantics<core_parallel>, #tpu.dimension_semantics<subcore_parallel>], iteration_bounds = array<i64: 2, 16>, scalar_prefetch = 0 : i64, scratch_operands = 4 : i64, tpu.core_type = #tpu.core_type<sc_vector_subcore>, window_params = [{transform_indices = #map}, {transform_indices = #map1}, {transform_indices = #map1}, {transform_indices = #map}]} {
    %mul3A = arith.constant 2 : i32
    %mul3A_0 = arith.muli %arg1, %mul3A : i32
    %add3A = arith.addi %mul3A_0, %arg0 : i32
    %mul3A_1 = arith.constant 64 : i32
    %mul3A_2 = arith.muli %add3A, %mul3A_1 : i32
    "tpu.region"() ({
      %run_scoped3A = tpu.sem_alloc : memref<!tpu.dma_semaphore, #tpu.memory_space<semaphore_mem>>
      %dma_start3A_13 = arith.constant 0 : i32
      %dma_start3A_14 = tpu.memref_slice %arg2[%mul3A_2, %dma_start3A_13] : memref<2048x384xi32, #tpu.memory_space<hbm>> -> memref<64x384xi32, #tpu.memory_space<hbm>>
      %dma_start3A_15 = arith.constant 0 : i32
      %dma_start3A_16 = tpu.memref_slice %arg2[%mul3A_2, %dma_start3A_15] : memref<2048x384xi32, #tpu.memory_space<hbm>> -> memref<64x384xi32, #tpu.memory_space<hbm>>
      tpu.enqueue_dma source(%dma_start3A_16 : memref<64x384xi32, #tpu.memory_space<hbm>>) target(%arg6 : memref<64x384xi32, #tpu.memory_space<vmem>>) target_semaphore(%run_scoped3A : memref<!tpu.dma_semaphore, #tpu.memory_space<semaphore_mem>>)
      %dma_wait3A_17 = arith.constant 0 : i32
      %dma_wait3A_18 = tpu.memref_slice %arg2[%mul3A_2, %dma_wait3A_17] : memref<2048x384xi32, #tpu.memory_space<hbm>> -> memref<64x384xi32, #tpu.memory_space<hbm>>
      %dma_wait3A_19 = arith.constant 0 : i32
      %dma_wait3A_20 = tpu.memref_slice %arg2[%mul3A_2, %dma_wait3A_19] : memref<2048x384xi32, #tpu.memory_space<hbm>> -> memref<64x384xi32, #tpu.memory_space<hbm>>
      tpu.wait_dma2 semaphore(%run_scoped3A : memref<!tpu.dma_semaphore, #tpu.memory_space<semaphore_mem>>) src(%dma_wait3A_20 : memref<64x384xi32, #tpu.memory_space<hbm>>) dst(%arg6 : memref<64x384xi32, #tpu.memory_space<vmem>>)
      tpu.yield
    }) : () -> ()
    "tpu.region"() ({
      %run_scoped3A = tpu.sem_alloc : memref<!tpu.dma_semaphore, #tpu.memory_space<semaphore_mem>>
      %dma_start3A_13 = tpu.memref_slice %arg3[%mul3A_2] : memref<2048xi32, #tpu.memory_space<hbm>> -> memref<64xi32, #tpu.memory_space<hbm>>
      %dma_start3A_14 = tpu.memref_slice %arg3[%mul3A_2] : memref<2048xi32, #tpu.memory_space<hbm>> -> memref<64xi32, #tpu.memory_space<hbm>>
      tpu.enqueue_dma source(%dma_start3A_14 : memref<64xi32, #tpu.memory_space<hbm>>) target(%arg7 : memref<64xi32, #tpu.memory_space<vmem>>) target_semaphore(%run_scoped3A : memref<!tpu.dma_semaphore, #tpu.memory_space<semaphore_mem>>)
      %dma_wait3A_15 = tpu.memref_slice %arg3[%mul3A_2] : memref<2048xi32, #tpu.memory_space<hbm>> -> memref<64xi32, #tpu.memory_space<hbm>>
      %dma_wait3A_16 = tpu.memref_slice %arg3[%mul3A_2] : memref<2048xi32, #tpu.memory_space<hbm>> -> memref<64xi32, #tpu.memory_space<hbm>>
      tpu.wait_dma2 semaphore(%run_scoped3A : memref<!tpu.dma_semaphore, #tpu.memory_space<semaphore_mem>>) src(%dma_wait3A_16 : memref<64xi32, #tpu.memory_space<hbm>>) dst(%arg7 : memref<64xi32, #tpu.memory_space<vmem>>)
      tpu.yield
    }) : () -> ()
    "tpu.region"() ({
      %run_scoped3A = tpu.sem_alloc : memref<!tpu.dma_semaphore, #tpu.memory_space<semaphore_mem>>
      %dma_start3A_13 = tpu.memref_slice %arg4[%mul3A_2] : memref<2048xi32, #tpu.memory_space<hbm>> -> memref<64xi32, #tpu.memory_space<hbm>>
      %dma_start3A_14 = tpu.memref_slice %arg4[%mul3A_2] : memref<2048xi32, #tpu.memory_space<hbm>> -> memref<64xi32, #tpu.memory_space<hbm>>
      tpu.enqueue_dma source(%dma_start3A_14 : memref<64xi32, #tpu.memory_space<hbm>>) target(%arg8 : memref<64xi32, #tpu.memory_space<vmem>>) target_semaphore(%run_scoped3A : memref<!tpu.dma_semaphore, #tpu.memory_space<semaphore_mem>>)
      %dma_wait3A_15 = tpu.memref_slice %arg4[%mul3A_2] : memref<2048xi32, #tpu.memory_space<hbm>> -> memref<64xi32, #tpu.memory_space<hbm>>
      %dma_wait3A_16 = tpu.memref_slice %arg4[%mul3A_2] : memref<2048xi32, #tpu.memory_space<hbm>> -> memref<64xi32, #tpu.memory_space<hbm>>
      tpu.wait_dma2 semaphore(%run_scoped3A : memref<!tpu.dma_semaphore, #tpu.memory_space<semaphore_mem>>) src(%dma_wait3A_16 : memref<64xi32, #tpu.memory_space<hbm>>) dst(%arg8 : memref<64xi32, #tpu.memory_space<vmem>>)
      tpu.yield
    }) : () -> ()
    %dma_start3A = arith.constant 0 : i32
    %dma_start3A_3 = arith.constant 0 : i32
    %dma_start3A_4 = tpu.memref_slice %arg5[%dma_start3A, %dma_start3A_3] : memref<20480x384xi32, #tpu.memory_space<hbm>> -> memref<20480x384xi32, #tpu.memory_space<hbm>>
    tpu.enqueue_indirect_dma source(%arg6 : memref<64x384xi32, #tpu.memory_space<vmem>>) target(%dma_start3A_4 : memref<20480x384xi32, #tpu.memory_space<hbm>>) offsets(%arg7 : memref<64xi32, #tpu.memory_space<vmem>>) semaphore(%arg9 : memref<!tpu.dma_semaphore, #tpu.memory_space<semaphore_mem>>)
    %dma_start3A_5 = arith.constant 0 : i32
    %dma_start3A_6 = arith.constant 0 : i32
    %dma_start3A_7 = tpu.memref_slice %arg5[%dma_start3A_5, %dma_start3A_6] : memref<20480x384xi32, #tpu.memory_space<hbm>> -> memref<20480x384xi32, #tpu.memory_space<hbm>>
    tpu.enqueue_indirect_dma source(%arg6 : memref<64x384xi32, #tpu.memory_space<vmem>>) target(%dma_start3A_7 : memref<20480x384xi32, #tpu.memory_space<hbm>>) offsets(%arg8 : memref<64xi32, #tpu.memory_space<vmem>>) semaphore(%arg9 : memref<!tpu.dma_semaphore, #tpu.memory_space<semaphore_mem>>)
    %dma_wait3A = arith.constant 0 : i32
    %dma_wait3A_8 = arith.constant 0 : i32
    %dma_wait3A_9 = tpu.memref_slice %arg5[%dma_wait3A, %dma_wait3A_8] : memref<20480x384xi32, #tpu.memory_space<hbm>> -> memref<20480x384xi32, #tpu.memory_space<hbm>>
    tpu.wait_indirect_dma semaphore(%arg9 : memref<!tpu.dma_semaphore, #tpu.memory_space<semaphore_mem>>) src(%arg6 : memref<64x384xi32, #tpu.memory_space<vmem>>) dst(%dma_wait3A_9 : memref<20480x384xi32, #tpu.memory_space<hbm>>)
    %dma_wait3A_10 = arith.constant 0 : i32
    %dma_wait3A_11 = arith.constant 0 : i32
    %dma_wait3A_12 = tpu.memref_slice %arg5[%dma_wait3A_10, %dma_wait3A_11] : memref<20480x384xi32, #tpu.memory_space<hbm>> -> memref<20480x384xi32, #tpu.memory_space<hbm>>
    tpu.wait_indirect_dma semaphore(%arg9 : memref<!tpu.dma_semaphore, #tpu.memory_space<semaphore_mem>>) src(%arg6 : memref<64x384xi32, #tpu.memory_space<vmem>>) dst(%dma_wait3A_12 : memref<20480x384xi32, #tpu.memory_space<hbm>>)
    return
  }
}

#map = affine_map<(d0, d1) -> (0, 0)>
#map1 = affine_map<(d0, d1) -> (0)>
module attributes {stable_mosaic.version = 14 : i64} {
  func.func @_sc_gather(%arg0: i32, %arg1: i32, %arg2: memref<20480x384xi32, #tpu.memory_space<hbm>>, %arg3: memref<2048xi32, #tpu.memory_space<hbm>>, %arg4: memref<2048xi32, #tpu.memory_space<hbm>>, %arg5: memref<2048x384xi32, #tpu.memory_space<hbm>>, %arg6: memref<2048x384xi32, #tpu.memory_space<hbm>>, %arg7: memref<64x384xi32, #tpu.memory_space<vmem>>, %arg8: memref<64x384xi32, #tpu.memory_space<vmem>>, %arg9: memref<64xi32, #tpu.memory_space<vmem>>, %arg10: memref<64xi32, #tpu.memory_space<vmem>>, %arg11: memref<!tpu.dma_semaphore, #tpu.memory_space<semaphore_mem>>) attributes {dimension_semantics = [#tpu.dimension_semantics<core_parallel>, #tpu.dimension_semantics<subcore_parallel>], iteration_bounds = array<i64: 2, 16>, scalar_prefetch = 0 : i64, scratch_operands = 5 : i64, tpu.core_type = #tpu.core_type<sc_vector_subcore>, window_params = [{transform_indices = #map}, {transform_indices = #map1}, {transform_indices = #map1}, {transform_indices = #map}, {transform_indices = #map}]} {
    %mul3A = arith.constant 2 : i32
    %mul3A_0 = arith.muli %arg1, %mul3A : i32
    %add3A = arith.addi %mul3A_0, %arg0 : i32
    %mul3A_1 = arith.constant 64 : i32
    %mul3A_2 = arith.muli %add3A, %mul3A_1 : i32
    "tpu.region"() ({
      %run_scoped3A = tpu.sem_alloc : memref<!tpu.dma_semaphore, #tpu.memory_space<semaphore_mem>>
      %dma_start3A_13 = tpu.memref_slice %arg3[%mul3A_2] : memref<2048xi32, #tpu.memory_space<hbm>> -> memref<64xi32, #tpu.memory_space<hbm>>
      %dma_start3A_14 = tpu.memref_slice %arg3[%mul3A_2] : memref<2048xi32, #tpu.memory_space<hbm>> -> memref<64xi32, #tpu.memory_space<hbm>>
      tpu.enqueue_dma source(%dma_start3A_14 : memref<64xi32, #tpu.memory_space<hbm>>) target(%arg9 : memref<64xi32, #tpu.memory_space<vmem>>) target_semaphore(%run_scoped3A : memref<!tpu.dma_semaphore, #tpu.memory_space<semaphore_mem>>)
      %dma_wait3A_15 = tpu.memref_slice %arg3[%mul3A_2] : memref<2048xi32, #tpu.memory_space<hbm>> -> memref<64xi32, #tpu.memory_space<hbm>>
      %dma_wait3A_16 = tpu.memref_slice %arg3[%mul3A_2] : memref<2048xi32, #tpu.memory_space<hbm>> -> memref<64xi32, #tpu.memory_space<hbm>>
      tpu.wait_dma2 semaphore(%run_scoped3A : memref<!tpu.dma_semaphore, #tpu.memory_space<semaphore_mem>>) src(%dma_wait3A_16 : memref<64xi32, #tpu.memory_space<hbm>>) dst(%arg9 : memref<64xi32, #tpu.memory_space<vmem>>)
      tpu.yield
    }) : () -> ()
    "tpu.region"() ({
      %run_scoped3A = tpu.sem_alloc : memref<!tpu.dma_semaphore, #tpu.memory_space<semaphore_mem>>
      %dma_start3A_13 = tpu.memref_slice %arg4[%mul3A_2] : memref<2048xi32, #tpu.memory_space<hbm>> -> memref<64xi32, #tpu.memory_space<hbm>>
      %dma_start3A_14 = tpu.memref_slice %arg4[%mul3A_2] : memref<2048xi32, #tpu.memory_space<hbm>> -> memref<64xi32, #tpu.memory_space<hbm>>
      tpu.enqueue_dma source(%dma_start3A_14 : memref<64xi32, #tpu.memory_space<hbm>>) target(%arg10 : memref<64xi32, #tpu.memory_space<vmem>>) target_semaphore(%run_scoped3A : memref<!tpu.dma_semaphore, #tpu.memory_space<semaphore_mem>>)
      %dma_wait3A_15 = tpu.memref_slice %arg4[%mul3A_2] : memref<2048xi32, #tpu.memory_space<hbm>> -> memref<64xi32, #tpu.memory_space<hbm>>
      %dma_wait3A_16 = tpu.memref_slice %arg4[%mul3A_2] : memref<2048xi32, #tpu.memory_space<hbm>> -> memref<64xi32, #tpu.memory_space<hbm>>
      tpu.wait_dma2 semaphore(%run_scoped3A : memref<!tpu.dma_semaphore, #tpu.memory_space<semaphore_mem>>) src(%dma_wait3A_16 : memref<64xi32, #tpu.memory_space<hbm>>) dst(%arg10 : memref<64xi32, #tpu.memory_space<vmem>>)
      tpu.yield
    }) : () -> ()
    %dma_start3A = arith.constant 0 : i32
    %dma_start3A_3 = arith.constant 0 : i32
    %dma_start3A_4 = tpu.memref_slice %arg2[%dma_start3A, %dma_start3A_3] : memref<20480x384xi32, #tpu.memory_space<hbm>> -> memref<20480x384xi32, #tpu.memory_space<hbm>>
    tpu.enqueue_indirect_dma source(%dma_start3A_4 : memref<20480x384xi32, #tpu.memory_space<hbm>>) target(%arg7 : memref<64x384xi32, #tpu.memory_space<vmem>>) offsets(%arg9 : memref<64xi32, #tpu.memory_space<vmem>>) semaphore(%arg11 : memref<!tpu.dma_semaphore, #tpu.memory_space<semaphore_mem>>)
    %dma_start3A_5 = arith.constant 0 : i32
    %dma_start3A_6 = arith.constant 0 : i32
    %dma_start3A_7 = tpu.memref_slice %arg2[%dma_start3A_5, %dma_start3A_6] : memref<20480x384xi32, #tpu.memory_space<hbm>> -> memref<20480x384xi32, #tpu.memory_space<hbm>>
    tpu.enqueue_indirect_dma source(%dma_start3A_7 : memref<20480x384xi32, #tpu.memory_space<hbm>>) target(%arg8 : memref<64x384xi32, #tpu.memory_space<vmem>>) offsets(%arg10 : memref<64xi32, #tpu.memory_space<vmem>>) semaphore(%arg11 : memref<!tpu.dma_semaphore, #tpu.memory_space<semaphore_mem>>)
    %dma_wait3A = arith.constant 0 : i32
    %dma_wait3A_8 = arith.constant 0 : i32
    %dma_wait3A_9 = tpu.memref_slice %arg2[%dma_wait3A, %dma_wait3A_8] : memref<20480x384xi32, #tpu.memory_space<hbm>> -> memref<20480x384xi32, #tpu.memory_space<hbm>>
    tpu.wait_indirect_dma semaphore(%arg11 : memref<!tpu.dma_semaphore, #tpu.memory_space<semaphore_mem>>) src(%dma_wait3A_9 : memref<20480x384xi32, #tpu.memory_space<hbm>>) dst(%arg7 : memref<64x384xi32, #tpu.memory_space<vmem>>)
    %dma_wait3A_10 = arith.constant 0 : i32
    %dma_wait3A_11 = arith.constant 0 : i32
    %dma_wait3A_12 = tpu.memref_slice %arg2[%dma_wait3A_10, %dma_wait3A_11] : memref<20480x384xi32, #tpu.memory_space<hbm>> -> memref<20480x384xi32, #tpu.memory_space<hbm>>
    tpu.wait_indirect_dma semaphore(%arg11 : memref<!tpu.dma_semaphore, #tpu.memory_space<semaphore_mem>>) src(%dma_wait3A_12 : memref<20480x384xi32, #tpu.memory_space<hbm>>) dst(%arg8 : memref<64x384xi32, #tpu.memory_space<vmem>>)
    "tpu.region"() ({
      %run_scoped3A = tpu.sem_alloc : memref<!tpu.dma_semaphore, #tpu.memory_space<semaphore_mem>>
      %dma_start3A_13 = arith.constant 0 : i32
      %dma_start3A_14 = tpu.memref_slice %arg5[%mul3A_2, %dma_start3A_13] : memref<2048x384xi32, #tpu.memory_space<hbm>> -> memref<64x384xi32, #tpu.memory_space<hbm>>
      %dma_start3A_15 = arith.constant 0 : i32
      %dma_start3A_16 = tpu.memref_slice %arg5[%mul3A_2, %dma_start3A_15] : memref<2048x384xi32, #tpu.memory_space<hbm>> -> memref<64x384xi32, #tpu.memory_space<hbm>>
      tpu.enqueue_dma source(%arg7 : memref<64x384xi32, #tpu.memory_space<vmem>>) target(%dma_start3A_16 : memref<64x384xi32, #tpu.memory_space<hbm>>) target_semaphore(%run_scoped3A : memref<!tpu.dma_semaphore, #tpu.memory_space<semaphore_mem>>)
      %dma_wait3A_17 = arith.constant 0 : i32
      %dma_wait3A_18 = tpu.memref_slice %arg5[%mul3A_2, %dma_wait3A_17] : memref<2048x384xi32, #tpu.memory_space<hbm>> -> memref<64x384xi32, #tpu.memory_space<hbm>>
      %dma_wait3A_19 = arith.constant 0 : i32
      %dma_wait3A_20 = tpu.memref_slice %arg5[%mul3A_2, %dma_wait3A_19] : memref<2048x384xi32, #tpu.memory_space<hbm>> -> memref<64x384xi32, #tpu.memory_space<hbm>>
      tpu.wait_dma2 semaphore(%run_scoped3A : memref<!tpu.dma_semaphore, #tpu.memory_space<semaphore_mem>>) src(%arg7 : memref<64x384xi32, #tpu.memory_space<vmem>>) dst(%dma_wait3A_20 : memref<64x384xi32, #tpu.memory_space<hbm>>)
      tpu.yield
    }) : () -> ()
    "tpu.region"() ({
      %run_scoped3A = tpu.sem_alloc : memref<!tpu.dma_semaphore, #tpu.memory_space<semaphore_mem>>
      %dma_start3A_13 = arith.constant 0 : i32
      %dma_start3A_14 = tpu.memref_slice %arg6[%mul3A_2, %dma_start3A_13] : memref<2048x384xi32, #tpu.memory_space<hbm>> -> memref<64x384xi32, #tpu.memory_space<hbm>>
      %dma_start3A_15 = arith.constant 0 : i32
      %dma_start3A_16 = tpu.memref_slice %arg6[%mul3A_2, %dma_start3A_15] : memref<2048x384xi32, #tpu.memory_space<hbm>> -> memref<64x384xi32, #tpu.memory_space<hbm>>
      tpu.enqueue_dma source(%arg8 : memref<64x384xi32, #tpu.memory_space<vmem>>) target(%dma_start3A_16 : memref<64x384xi32, #tpu.memory_space<hbm>>) target_semaphore(%run_scoped3A : memref<!tpu.dma_semaphore, #tpu.memory_space<semaphore_mem>>)
      %dma_wait3A_17 = arith.constant 0 : i32
      %dma_wait3A_18 = tpu.memref_slice %arg6[%mul3A_2, %dma_wait3A_17] : memref<2048x384xi32, #tpu.memory_space<hbm>> -> memref<64x384xi32, #tpu.memory_space<hbm>>
      %dma_wait3A_19 = arith.constant 0 : i32
      %dma_wait3A_20 = tpu.memref_slice %arg6[%mul3A_2, %dma_wait3A_19] : memref<2048x384xi32, #tpu.memory_space<hbm>> -> memref<64x384xi32, #tpu.memory_space<hbm>>
      tpu.wait_dma2 semaphore(%run_scoped3A : memref<!tpu.dma_semaphore, #tpu.memory_space<semaphore_mem>>) src(%arg8 : memref<64x384xi32, #tpu.memory_space<vmem>>) dst(%dma_wait3A_20 : memref<64x384xi32, #tpu.memory_space<hbm>>)
      tpu.yield
    }) : () -> ()
    return
  }
}

module attributes {stable_mosaic.version = 14 : i64} {
  func.func @_router_body(%arg0: memref<2048x768xf32, #tpu.memory_space<vmem>>, %arg1: memref<64x768xf32, #tpu.memory_space<vmem>>, %arg2: memref<1x64xf32, #tpu.memory_space<vmem>>, %arg3: memref<2048x128xf32, #tpu.memory_space<vmem>>, %arg4: memref<80x128xi32, #tpu.memory_space<vmem>>, %arg5: memref<2048x384xi32, #tpu.memory_space<vmem>>) attributes {dimension_semantics = [], scalar_prefetch = 0 : i64, scratch_operands = 0 : i64, tpu.core_type = #tpu.core_type<tc>} {
    %get3A = arith.constant 0 : index
    %get3A_0 = arith.constant 0 : index
    %get3A_1 = vector.load %arg0[%get3A, %get3A_0] : memref<2048x768xf32, #tpu.memory_space<vmem>>, vector<2048x768xf32>
    %slice3A = vector.extract_strided_slice %get3A_1 {offsets = [0, 0], sizes = [2048, 384], strides = [1, 1]} : vector<2048x768xf32> to vector<2048x384xf32>
    %bitcast_convert_type3A = tpu.bitcast %slice3A : vector<2048x384xf32> -> vector<2048x384xi32>
    %slice3A_2 = vector.extract_strided_slice %get3A_1 {offsets = [0, 384], sizes = [2048, 384], strides = [1, 1]} : vector<2048x768xf32> to vector<2048x384xf32>
    %bitcast_convert_type3A_3 = tpu.bitcast %slice3A_2 : vector<2048x384xf32> -> vector<2048x384xi32>
    %add3A = arith.constant 32768 : i32
    %add3A_4 = vector.broadcast %add3A : i32 to vector<2048x384xi32>
    %add3A_5 = arith.addi %bitcast_convert_type3A, %add3A_4 : vector<2048x384xi32>
    %and3A = arith.constant -65536 : i32
    %and3A_6 = vector.broadcast %and3A : i32 to vector<2048x384xi32>
    %and3A_7 = arith.andi %add3A_5, %and3A_6 : vector<2048x384xi32>
    %add3A_8 = arith.constant 32768 : i32
    %add3A_9 = vector.broadcast %add3A_8 : i32 to vector<2048x384xi32>
    %add3A_10 = arith.addi %bitcast_convert_type3A_3, %add3A_9 : vector<2048x384xi32>
    %shift_right_logical3A = arith.constant 16 : i32
    %shift_right_logical3A_11 = vector.broadcast %shift_right_logical3A : i32 to vector<2048x384xi32>
    %shift_right_logical3A_12 = arith.shrui %add3A_10, %shift_right_logical3A_11 : vector<2048x384xi32>
    %or3A = arith.ori %and3A_7, %shift_right_logical3A_12 : vector<2048x384xi32>
    %swap3A = arith.constant 0 : index
    %swap3A_13 = arith.constant 0 : index
    %swap3A_14 = vector.load %arg5[%swap3A, %swap3A_13] : memref<2048x384xi32, #tpu.memory_space<vmem>>, vector<2048x384xi32>
    tpu.vector_store %arg5[%swap3A, %swap3A_13], %or3A {strides = array<i32>} : memref<2048x384xi32, #tpu.memory_space<vmem>>, vector<2048x384xi32>,
    %get3A_15 = arith.constant 0 : index
    %get3A_16 = arith.constant 0 : index
    %get3A_17 = vector.load %arg1[%get3A_15, %get3A_16] : memref<64x768xf32, #tpu.memory_space<vmem>>, vector<64x768xf32>
    %dot_general3A = arith.constant dense<0.000000e+00> : vector<2048x64xf32>
    %dot_general3A_18 = tpu.matmul %get3A_1, %get3A_17, %dot_general3A {dimension_numbers = #tpu.dot_dimension_numbers<[1], [1], [0], [0], [0, 0, 1, 0], [], []>, transpose_lhs_hint = false} : vector<2048x768xf32>, vector<64x768xf32>, vector<2048x64xf32> -> vector<2048x64xf32>
    %logistic3A = arith.negf %dot_general3A_18 : vector<2048x64xf32>
    %logistic3A_19 = math.exp %logistic3A : vector<2048x64xf32>
    %logistic3A_20 = arith.constant 1.000000e+00 : f32
    %logistic3A_21 = vector.broadcast %logistic3A_20 : f32 to vector<2048x64xf32>
    %logistic3A_22 = arith.addf %logistic3A_21, %logistic3A_19 : vector<2048x64xf32>
    %logistic3A_23 = arith.divf %logistic3A_21, %logistic3A_22 : vector<2048x64xf32>
    %get3A_24 = arith.constant 0 : index
    %get3A_25 = arith.constant 0 : index
    %get3A_26 = vector.load %arg2[%get3A_24, %get3A_25] : memref<1x64xf32, #tpu.memory_space<vmem>>, vector<1x64xf32>
    %add3A_27 = vector.broadcast %get3A_26 : vector<1x64xf32> to vector<2048x64xf32>
    %add3A_28 = arith.addf %logistic3A_23, %add3A_27 : vector<2048x64xf32>
    %iota3A = tpu.iota {dimensions = array<i32: 1>} : vector<2048x64xi32>
    %jit3A = arith.constant 8 : i32
    %div3A = vector.broadcast %jit3A : i32 to vector<2048x64xi32>
    %div3A_29 = arith.divsi %iota3A, %div3A : vector<2048x64xi32>
    %sign3A = arith.constant 0 : i32
    %sign3A_30 = vector.broadcast %sign3A : i32 to vector<2048x64xi32>
    %sign3A_31 = arith.cmpi sgt, %iota3A, %sign3A_30 : vector<2048x64xi32>
    %sign3A_32 = arith.extui %sign3A_31 : vector<2048x64xi1> to vector<2048x64xi32>
    %sign3A_33 = arith.constant 0 : i32
    %sign3A_34 = vector.broadcast %sign3A_33 : i32 to vector<2048x64xi32>
    %sign3A_35 = arith.cmpi slt, %iota3A, %sign3A_34 : vector<2048x64xi32>
    %sign3A_36 = arith.extui %sign3A_35 : vector<2048x64xi1> to vector<2048x64xi32>
    %sign3A_37 = arith.subi %sign3A_32, %sign3A_36 : vector<2048x64xi32>
    %sign3A_38 = arith.constant 0 : i32
    %sign3A_39 = arith.cmpi sgt, %jit3A, %sign3A_38 : i32
    %sign3A_40 = arith.extui %sign3A_39 : i1 to i32
    %sign3A_41 = arith.constant 0 : i32
    %sign3A_42 = arith.cmpi slt, %jit3A, %sign3A_41 : i32
    %sign3A_43 = arith.extui %sign3A_42 : i1 to i32
    %sign3A_44 = arith.subi %sign3A_40, %sign3A_43 : i32
    %ne3A = vector.broadcast %sign3A_44 : i32 to vector<2048x64xi32>
    %ne3A_45 = arith.cmpi ne, %sign3A_37, %ne3A : vector<2048x64xi32>
    %rem3A = vector.broadcast %jit3A : i32 to vector<2048x64xi32>
    %rem3A_46 = arith.remsi %iota3A, %rem3A : vector<2048x64xi32>
    %ne3A_47 = arith.constant 0 : i32
    %ne3A_48 = vector.broadcast %ne3A_47 : i32 to vector<2048x64xi32>
    %ne3A_49 = arith.cmpi ne, %rem3A_46, %ne3A_48 : vector<2048x64xi32>
    %and3A_50 = arith.andi %ne3A_45, %ne3A_49 : vector<2048x64xi1>
    %sub3A = arith.constant 1 : i32
    %sub3A_51 = vector.broadcast %sub3A : i32 to vector<2048x64xi32>
    %sub3A_52 = arith.subi %div3A_29, %sub3A_51 : vector<2048x64xi32>
    %select_n3A = arith.select %and3A_50, %sub3A_52, %div3A_29 : vector<2048x64xi1>, vector<2048x64xi32>
    %broadcast_in_dim3A = arith.constant 0.000000e+00 : f32
    %broadcast_in_dim3A_53 = vector.broadcast %broadcast_in_dim3A : f32 to vector<2048x64xf32>
    %iota3A_54 = tpu.iota {dimensions = array<i32: 0>} : vector<64x64xi32>
    %iota3A_55 = tpu.iota {dimensions = array<i32: 1>} : vector<64x64xi32>
    %le3A = arith.cmpi sle, %iota3A_54, %iota3A_55 : vector<64x64xi32>
    %convert_element_type3A = arith.extui %le3A : vector<64x64xi1> to vector<64x64xi32>
    %convert_element_type3A_56 = arith.sitofp %convert_element_type3A : vector<64x64xi32> to vector<64x64xf32>
    %eq3A = arith.constant 0 : i32
    %eq3A_57 = vector.broadcast %eq3A : i32 to vector<2048x64xi32>
    %eq3A_58 = arith.cmpi eq, %select_n3A, %eq3A_57 : vector<2048x64xi32>
    %jit3A_59 = arith.constant 0xFF800000 : f32
    %broadcast_in_dim3A_60 = vector.broadcast %jit3A_59 : f32 to vector<2048x64xf32>
    %select_n3A_61 = arith.select %eq3A_58, %add3A_28, %broadcast_in_dim3A_60 : vector<2048x64xi1>, vector<2048x64xf32>
    %reduce_max3A = arith.constant dense<0xFF800000> : vector<2048xf32>
    %reduce_max3A_62 = vector.multi_reduction <maximumf>, %select_n3A_61, %reduce_max3A [1] : vector<2048x64xf32> to vector<2048xf32>
    %broadcast_in_dim3A_63 = vector.shape_cast %reduce_max3A_62 : vector<2048xf32> to vector<2048x1xf32>
    %eq3A_64 = vector.broadcast %broadcast_in_dim3A_63 : vector<2048x1xf32> to vector<2048x64xf32>
    %eq3A_65 = arith.cmpf oeq, %select_n3A_61, %eq3A_64 : vector<2048x64xf32>
    %convert_element_type3A_66 = arith.extui %eq3A_65 : vector<2048x64xi1> to vector<2048x64xi32>
    %convert_element_type3A_67 = arith.sitofp %convert_element_type3A_66 : vector<2048x64xi32> to vector<2048x64xf32>
    %dot_general3A_68 = arith.constant dense<0.000000e+00> : vector<2048x64xf32>
    %dot_general3A_69 = tpu.matmul %convert_element_type3A_67, %convert_element_type3A_56, %dot_general3A_68 {dimension_numbers = #tpu.dot_dimension_numbers<[1], [0], [0], [1], [0, 0, 1, 1], [], []>, transpose_lhs_hint = false} : vector<2048x64xf32>, vector<64x64xf32>, vector<2048x64xf32> -> vector<2048x64xf32>
    %eq3A_70 = arith.constant 1.000000e+00 : f32
    %eq3A_71 = vector.broadcast %eq3A_70 : f32 to vector<2048x64xf32>
    %eq3A_72 = arith.cmpf oeq, %dot_general3A_69, %eq3A_71 : vector<2048x64xf32>
    %eq3A_73 = vector.broadcast %broadcast_in_dim3A_63 : vector<2048x1xf32> to vector<2048x64xf32>
    %eq3A_74 = arith.cmpf oeq, %select_n3A_61, %eq3A_73 : vector<2048x64xf32>
    %and3A_75 = arith.andi %eq3A_72, %eq3A_74 : vector<2048x64xi1>
    %jit3A_76 = arith.constant 0xFF800000 : f32
    %broadcast_in_dim3A_77 = vector.broadcast %jit3A_76 : f32 to vector<2048x64xf32>
    %select_n3A_78 = arith.select %and3A_75, %broadcast_in_dim3A_77, %select_n3A_61 : vector<2048x64xi1>, vector<2048x64xf32>
    %reduce_max3A_79 = arith.constant dense<0xFF800000> : vector<2048xf32>
    %reduce_max3A_80 = vector.multi_reduction <maximumf>, %select_n3A_78, %reduce_max3A_79 [1] : vector<2048x64xf32> to vector<2048xf32>
    %broadcast_in_dim3A_81 = vector.shape_cast %reduce_max3A_80 : vector<2048xf32> to vector<2048x1xf32>
    %add3A_82 = arith.addf %broadcast_in_dim3A_63, %broadcast_in_dim3A_81 : vector<2048x1xf32>
    %broadcast_in_dim3A_83 = vector.shape_cast %add3A_82 : vector<2048x1xf32> to vector<2048x1xf32>
    %broadcast_in_dim3A_84 = vector.broadcast %broadcast_in_dim3A_83 : vector<2048x1xf32> to vector<2048x64xf32>
    %select_n3A_85 = arith.select %eq3A_58, %broadcast_in_dim3A_84, %broadcast_in_dim3A_53 : vector<2048x64xi1>, vector<2048x64xf32>
    %eq3A_86 = arith.constant 1 : i32
    %eq3A_87 = vector.broadcast %eq3A_86 : i32 to vector<2048x64xi32>
    %eq3A_88 = arith.cmpi eq, %select_n3A, %eq3A_87 : vector<2048x64xi32>
    %jit3A_89 = arith.constant 0xFF800000 : f32
    %broadcast_in_dim3A_90 = vector.broadcast %jit3A_89 : f32 to vector<2048x64xf32>
    %select_n3A_91 = arith.select %eq3A_88, %add3A_28, %broadcast_in_dim3A_90 : vector<2048x64xi1>, vector<2048x64xf32>
    %reduce_max3A_92 = arith.constant dense<0xFF800000> : vector<2048xf32>
    %reduce_max3A_93 = vector.multi_reduction <maximumf>, %select_n3A_91, %reduce_max3A_92 [1] : vector<2048x64xf32> to vector<2048xf32>
    %broadcast_in_dim3A_94 = vector.shape_cast %reduce_max3A_93 : vector<2048xf32> to vector<2048x1xf32>
    %eq3A_95 = vector.broadcast %broadcast_in_dim3A_94 : vector<2048x1xf32> to vector<2048x64xf32>
    %eq3A_96 = arith.cmpf oeq, %select_n3A_91, %eq3A_95 : vector<2048x64xf32>
    %convert_element_type3A_97 = arith.extui %eq3A_96 : vector<2048x64xi1> to vector<2048x64xi32>
    %convert_element_type3A_98 = arith.sitofp %convert_element_type3A_97 : vector<2048x64xi32> to vector<2048x64xf32>
    %dot_general3A_99 = arith.constant dense<0.000000e+00> : vector<2048x64xf32>
    %dot_general3A_100 = tpu.matmul %convert_element_type3A_98, %convert_element_type3A_56, %dot_general3A_99 {dimension_numbers = #tpu.dot_dimension_numbers<[1], [0], [0], [1], [0, 0, 1, 1], [], []>, transpose_lhs_hint = false} : vector<2048x64xf32>, vector<64x64xf32>, vector<2048x64xf32> -> vector<2048x64xf32>
    %eq3A_101 = arith.constant 1.000000e+00 : f32
    %eq3A_102 = vector.broadcast %eq3A_101 : f32 to vector<2048x64xf32>
    %eq3A_103 = arith.cmpf oeq, %dot_general3A_100, %eq3A_102 : vector<2048x64xf32>
    %eq3A_104 = vector.broadcast %broadcast_in_dim3A_94 : vector<2048x1xf32> to vector<2048x64xf32>
    %eq3A_105 = arith.cmpf oeq, %select_n3A_91, %eq3A_104 : vector<2048x64xf32>
    %and3A_106 = arith.andi %eq3A_103, %eq3A_105 : vector<2048x64xi1>
    %jit3A_107 = arith.constant 0xFF800000 : f32
    %broadcast_in_dim3A_108 = vector.broadcast %jit3A_107 : f32 to vector<2048x64xf32>
    %select_n3A_109 = arith.select %and3A_106, %broadcast_in_dim3A_108, %select_n3A_91 : vector<2048x64xi1>, vector<2048x64xf32>
    %reduce_max3A_110 = arith.constant dense<0xFF800000> : vector<2048xf32>
    %reduce_max3A_111 = vector.multi_reduction <maximumf>, %select_n3A_109, %reduce_max3A_110 [1] : vector<2048x64xf32> to vector<2048xf32>
    %broadcast_in_dim3A_112 = vector.shape_cast %reduce_max3A_111 : vector<2048xf32> to vector<2048x1xf32>
    %add3A_113 = arith.addf %broadcast_in_dim3A_94, %broadcast_in_dim3A_112 : vector<2048x1xf32>
    %broadcast_in_dim3A_114 = vector.shape_cast %add3A_113 : vector<2048x1xf32> to vector<2048x1xf32>
    %broadcast_in_dim3A_115 = vector.broadcast %broadcast_in_dim3A_114 : vector<2048x1xf32> to vector<2048x64xf32>
    %select_n3A_116 = arith.select %eq3A_88, %broadcast_in_dim3A_115, %select_n3A_85 : vector<2048x64xi1>, vector<2048x64xf32>
    %eq3A_117 = arith.constant 2 : i32
    %eq3A_118 = vector.broadcast %eq3A_117 : i32 to vector<2048x64xi32>
    %eq3A_119 = arith.cmpi eq, %select_n3A, %eq3A_118 : vector<2048x64xi32>
    %jit3A_120 = arith.constant 0xFF800000 : f32
    %broadcast_in_dim3A_121 = vector.broadcast %jit3A_120 : f32 to vector<2048x64xf32>
    %select_n3A_122 = arith.select %eq3A_119, %add3A_28, %broadcast_in_dim3A_121 : vector<2048x64xi1>, vector<2048x64xf32>
    %reduce_max3A_123 = arith.constant dense<0xFF800000> : vector<2048xf32>
    %reduce_max3A_124 = vector.multi_reduction <maximumf>, %select_n3A_122, %reduce_max3A_123 [1] : vector<2048x64xf32> to vector<2048xf32>
    %broadcast_in_dim3A_125 = vector.shape_cast %reduce_max3A_124 : vector<2048xf32> to vector<2048x1xf32>
    %eq3A_126 = vector.broadcast %broadcast_in_dim3A_125 : vector<2048x1xf32> to vector<2048x64xf32>
    %eq3A_127 = arith.cmpf oeq, %select_n3A_122, %eq3A_126 : vector<2048x64xf32>
    %convert_element_type3A_128 = arith.extui %eq3A_127 : vector<2048x64xi1> to vector<2048x64xi32>
    %convert_element_type3A_129 = arith.sitofp %convert_element_type3A_128 : vector<2048x64xi32> to vector<2048x64xf32>
    %dot_general3A_130 = arith.constant dense<0.000000e+00> : vector<2048x64xf32>
    %dot_general3A_131 = tpu.matmul %convert_element_type3A_129, %convert_element_type3A_56, %dot_general3A_130 {dimension_numbers = #tpu.dot_dimension_numbers<[1], [0], [0], [1], [0, 0, 1, 1], [], []>, transpose_lhs_hint = false} : vector<2048x64xf32>, vector<64x64xf32>, vector<2048x64xf32> -> vector<2048x64xf32>
    %eq3A_132 = arith.constant 1.000000e+00 : f32
    %eq3A_133 = vector.broadcast %eq3A_132 : f32 to vector<2048x64xf32>
    %eq3A_134 = arith.cmpf oeq, %dot_general3A_131, %eq3A_133 : vector<2048x64xf32>
    %eq3A_135 = vector.broadcast %broadcast_in_dim3A_125 : vector<2048x1xf32> to vector<2048x64xf32>
    %eq3A_136 = arith.cmpf oeq, %select_n3A_122, %eq3A_135 : vector<2048x64xf32>
    %and3A_137 = arith.andi %eq3A_134, %eq3A_136 : vector<2048x64xi1>
    %jit3A_138 = arith.constant 0xFF800000 : f32
    %broadcast_in_dim3A_139 = vector.broadcast %jit3A_138 : f32 to vector<2048x64xf32>
    %select_n3A_140 = arith.select %and3A_137, %broadcast_in_dim3A_139, %select_n3A_122 : vector<2048x64xi1>, vector<2048x64xf32>
    %reduce_max3A_141 = arith.constant dense<0xFF800000> : vector<2048xf32>
    %reduce_max3A_142 = vector.multi_reduction <maximumf>, %select_n3A_140, %reduce_max3A_141 [1] : vector<2048x64xf32> to vector<2048xf32>
    %broadcast_in_dim3A_143 = vector.shape_cast %reduce_max3A_142 : vector<2048xf32> to vector<2048x1xf32>
    %add3A_144 = arith.addf %broadcast_in_dim3A_125, %broadcast_in_dim3A_143 : vector<2048x1xf32>
    %broadcast_in_dim3A_145 = vector.shape_cast %add3A_144 : vector<2048x1xf32> to vector<2048x1xf32>
    %broadcast_in_dim3A_146 = vector.broadcast %broadcast_in_dim3A_145 : vector<2048x1xf32> to vector<2048x64xf32>
    %select_n3A_147 = arith.select %eq3A_119, %broadcast_in_dim3A_146, %select_n3A_116 : vector<2048x64xi1>, vector<2048x64xf32>
    %eq3A_148 = arith.constant 3 : i32
    %eq3A_149 = vector.broadcast %eq3A_148 : i32 to vector<2048x64xi32>
    %eq3A_150 = arith.cmpi eq, %select_n3A, %eq3A_149 : vector<2048x64xi32>
    %jit3A_151 = arith.constant 0xFF800000 : f32
    %broadcast_in_dim3A_152 = vector.broadcast %jit3A_151 : f32 to vector<2048x64xf32>
    %select_n3A_153 = arith.select %eq3A_150, %add3A_28, %broadcast_in_dim3A_152 : vector<2048x64xi1>, vector<2048x64xf32>
    %reduce_max3A_154 = arith.constant dense<0xFF800000> : vector<2048xf32>
    %reduce_max3A_155 = vector.multi_reduction <maximumf>, %select_n3A_153, %reduce_max3A_154 [1] : vector<2048x64xf32> to vector<2048xf32>
    %broadcast_in_dim3A_156 = vector.shape_cast %reduce_max3A_155 : vector<2048xf32> to vector<2048x1xf32>
    %eq3A_157 = vector.broadcast %broadcast_in_dim3A_156 : vector<2048x1xf32> to vector<2048x64xf32>
    %eq3A_158 = arith.cmpf oeq, %select_n3A_153, %eq3A_157 : vector<2048x64xf32>
    %convert_element_type3A_159 = arith.extui %eq3A_158 : vector<2048x64xi1> to vector<2048x64xi32>
    %convert_element_type3A_160 = arith.sitofp %convert_element_type3A_159 : vector<2048x64xi32> to vector<2048x64xf32>
    %dot_general3A_161 = arith.constant dense<0.000000e+00> : vector<2048x64xf32>
    %dot_general3A_162 = tpu.matmul %convert_element_type3A_160, %convert_element_type3A_56, %dot_general3A_161 {dimension_numbers = #tpu.dot_dimension_numbers<[1], [0], [0], [1], [0, 0, 1, 1], [], []>, transpose_lhs_hint = false} : vector<2048x64xf32>, vector<64x64xf32>, vector<2048x64xf32> -> vector<2048x64xf32>
    %eq3A_163 = arith.constant 1.000000e+00 : f32
    %eq3A_164 = vector.broadcast %eq3A_163 : f32 to vector<2048x64xf32>
    %eq3A_165 = arith.cmpf oeq, %dot_general3A_162, %eq3A_164 : vector<2048x64xf32>
    %eq3A_166 = vector.broadcast %broadcast_in_dim3A_156 : vector<2048x1xf32> to vector<2048x64xf32>
    %eq3A_167 = arith.cmpf oeq, %select_n3A_153, %eq3A_166 : vector<2048x64xf32>
    %and3A_168 = arith.andi %eq3A_165, %eq3A_167 : vector<2048x64xi1>
    %jit3A_169 = arith.constant 0xFF800000 : f32
    %broadcast_in_dim3A_170 = vector.broadcast %jit3A_169 : f32 to vector<2048x64xf32>
    %select_n3A_171 = arith.select %and3A_168, %broadcast_in_dim3A_170, %select_n3A_153 : vector<2048x64xi1>, vector<2048x64xf32>
    %reduce_max3A_172 = arith.constant dense<0xFF800000> : vector<2048xf32>
    %reduce_max3A_173 = vector.multi_reduction <maximumf>, %select_n3A_171, %reduce_max3A_172 [1] : vector<2048x64xf32> to vector<2048xf32>
    %broadcast_in_dim3A_174 = vector.shape_cast %reduce_max3A_173 : vector<2048xf32> to vector<2048x1xf32>
    %add3A_175 = arith.addf %broadcast_in_dim3A_156, %broadcast_in_dim3A_174 : vector<2048x1xf32>
    %broadcast_in_dim3A_176 = vector.shape_cast %add3A_175 : vector<2048x1xf32> to vector<2048x1xf32>
    %broadcast_in_dim3A_177 = vector.broadcast %broadcast_in_dim3A_176 : vector<2048x1xf32> to vector<2048x64xf32>
    %select_n3A_178 = arith.select %eq3A_150, %broadcast_in_dim3A_177, %select_n3A_147 : vector<2048x64xi1>, vector<2048x64xf32>
    %eq3A_179 = arith.constant 4 : i32
    %eq3A_180 = vector.broadcast %eq3A_179 : i32 to vector<2048x64xi32>
    %eq3A_181 = arith.cmpi eq, %select_n3A, %eq3A_180 : vector<2048x64xi32>
    %jit3A_182 = arith.constant 0xFF800000 : f32
    %broadcast_in_dim3A_183 = vector.broadcast %jit3A_182 : f32 to vector<2048x64xf32>
    %select_n3A_184 = arith.select %eq3A_181, %add3A_28, %broadcast_in_dim3A_183 : vector<2048x64xi1>, vector<2048x64xf32>
    %reduce_max3A_185 = arith.constant dense<0xFF800000> : vector<2048xf32>
    %reduce_max3A_186 = vector.multi_reduction <maximumf>, %select_n3A_184, %reduce_max3A_185 [1] : vector<2048x64xf32> to vector<2048xf32>
    %broadcast_in_dim3A_187 = vector.shape_cast %reduce_max3A_186 : vector<2048xf32> to vector<2048x1xf32>
    %eq3A_188 = vector.broadcast %broadcast_in_dim3A_187 : vector<2048x1xf32> to vector<2048x64xf32>
    %eq3A_189 = arith.cmpf oeq, %select_n3A_184, %eq3A_188 : vector<2048x64xf32>
    %convert_element_type3A_190 = arith.extui %eq3A_189 : vector<2048x64xi1> to vector<2048x64xi32>
    %convert_element_type3A_191 = arith.sitofp %convert_element_type3A_190 : vector<2048x64xi32> to vector<2048x64xf32>
    %dot_general3A_192 = arith.constant dense<0.000000e+00> : vector<2048x64xf32>
    %dot_general3A_193 = tpu.matmul %convert_element_type3A_191, %convert_element_type3A_56, %dot_general3A_192 {dimension_numbers = #tpu.dot_dimension_numbers<[1], [0], [0], [1], [0, 0, 1, 1], [], []>, transpose_lhs_hint = false} : vector<2048x64xf32>, vector<64x64xf32>, vector<2048x64xf32> -> vector<2048x64xf32>
    %eq3A_194 = arith.constant 1.000000e+00 : f32
    %eq3A_195 = vector.broadcast %eq3A_194 : f32 to vector<2048x64xf32>
    %eq3A_196 = arith.cmpf oeq, %dot_general3A_193, %eq3A_195 : vector<2048x64xf32>
    %eq3A_197 = vector.broadcast %broadcast_in_dim3A_187 : vector<2048x1xf32> to vector<2048x64xf32>
    %eq3A_198 = arith.cmpf oeq, %select_n3A_184, %eq3A_197 : vector<2048x64xf32>
    %and3A_199 = arith.andi %eq3A_196, %eq3A_198 : vector<2048x64xi1>
    %jit3A_200 = arith.constant 0xFF800000 : f32
    %broadcast_in_dim3A_201 = vector.broadcast %jit3A_200 : f32 to vector<2048x64xf32>
    %select_n3A_202 = arith.select %and3A_199, %broadcast_in_dim3A_201, %select_n3A_184 : vector<2048x64xi1>, vector<2048x64xf32>
    %reduce_max3A_203 = arith.constant dense<0xFF800000> : vector<2048xf32>
    %reduce_max3A_204 = vector.multi_reduction <maximumf>, %select_n3A_202, %reduce_max3A_203 [1] : vector<2048x64xf32> to vector<2048xf32>
    %broadcast_in_dim3A_205 = vector.shape_cast %reduce_max3A_204 : vector<2048xf32> to vector<2048x1xf32>
    %add3A_206 = arith.addf %broadcast_in_dim3A_187, %broadcast_in_dim3A_205 : vector<2048x1xf32>
    %broadcast_in_dim3A_207 = vector.shape_cast %add3A_206 : vector<2048x1xf32> to vector<2048x1xf32>
    %broadcast_in_dim3A_208 = vector.broadcast %broadcast_in_dim3A_207 : vector<2048x1xf32> to vector<2048x64xf32>
    %select_n3A_209 = arith.select %eq3A_181, %broadcast_in_dim3A_208, %select_n3A_178 : vector<2048x64xi1>, vector<2048x64xf32>
    %eq3A_210 = arith.constant 5 : i32
    %eq3A_211 = vector.broadcast %eq3A_210 : i32 to vector<2048x64xi32>
    %eq3A_212 = arith.cmpi eq, %select_n3A, %eq3A_211 : vector<2048x64xi32>
    %jit3A_213 = arith.constant 0xFF800000 : f32
    %broadcast_in_dim3A_214 = vector.broadcast %jit3A_213 : f32 to vector<2048x64xf32>
    %select_n3A_215 = arith.select %eq3A_212, %add3A_28, %broadcast_in_dim3A_214 : vector<2048x64xi1>, vector<2048x64xf32>
    %reduce_max3A_216 = arith.constant dense<0xFF800000> : vector<2048xf32>
    %reduce_max3A_217 = vector.multi_reduction <maximumf>, %select_n3A_215, %reduce_max3A_216 [1] : vector<2048x64xf32> to vector<2048xf32>
    %broadcast_in_dim3A_218 = vector.shape_cast %reduce_max3A_217 : vector<2048xf32> to vector<2048x1xf32>
    %eq3A_219 = vector.broadcast %broadcast_in_dim3A_218 : vector<2048x1xf32> to vector<2048x64xf32>
    %eq3A_220 = arith.cmpf oeq, %select_n3A_215, %eq3A_219 : vector<2048x64xf32>
    %convert_element_type3A_221 = arith.extui %eq3A_220 : vector<2048x64xi1> to vector<2048x64xi32>
    %convert_element_type3A_222 = arith.sitofp %convert_element_type3A_221 : vector<2048x64xi32> to vector<2048x64xf32>
    %dot_general3A_223 = arith.constant dense<0.000000e+00> : vector<2048x64xf32>
    %dot_general3A_224 = tpu.matmul %convert_element_type3A_222, %convert_element_type3A_56, %dot_general3A_223 {dimension_numbers = #tpu.dot_dimension_numbers<[1], [0], [0], [1], [0, 0, 1, 1], [], []>, transpose_lhs_hint = false} : vector<2048x64xf32>, vector<64x64xf32>, vector<2048x64xf32> -> vector<2048x64xf32>
    %eq3A_225 = arith.constant 1.000000e+00 : f32
    %eq3A_226 = vector.broadcast %eq3A_225 : f32 to vector<2048x64xf32>
    %eq3A_227 = arith.cmpf oeq, %dot_general3A_224, %eq3A_226 : vector<2048x64xf32>
    %eq3A_228 = vector.broadcast %broadcast_in_dim3A_218 : vector<2048x1xf32> to vector<2048x64xf32>
    %eq3A_229 = arith.cmpf oeq, %select_n3A_215, %eq3A_228 : vector<2048x64xf32>
    %and3A_230 = arith.andi %eq3A_227, %eq3A_229 : vector<2048x64xi1>
    %jit3A_231 = arith.constant 0xFF800000 : f32
    %broadcast_in_dim3A_232 = vector.broadcast %jit3A_231 : f32 to vector<2048x64xf32>
    %select_n3A_233 = arith.select %and3A_230, %broadcast_in_dim3A_232, %select_n3A_215 : vector<2048x64xi1>, vector<2048x64xf32>
    %reduce_max3A_234 = arith.constant dense<0xFF800000> : vector<2048xf32>
    %reduce_max3A_235 = vector.multi_reduction <maximumf>, %select_n3A_233, %reduce_max3A_234 [1] : vector<2048x64xf32> to vector<2048xf32>
    %broadcast_in_dim3A_236 = vector.shape_cast %reduce_max3A_235 : vector<2048xf32> to vector<2048x1xf32>
    %add3A_237 = arith.addf %broadcast_in_dim3A_218, %broadcast_in_dim3A_236 : vector<2048x1xf32>
    %broadcast_in_dim3A_238 = vector.shape_cast %add3A_237 : vector<2048x1xf32> to vector<2048x1xf32>
    %broadcast_in_dim3A_239 = vector.broadcast %broadcast_in_dim3A_238 : vector<2048x1xf32> to vector<2048x64xf32>
    %select_n3A_240 = arith.select %eq3A_212, %broadcast_in_dim3A_239, %select_n3A_209 : vector<2048x64xi1>, vector<2048x64xf32>
    %eq3A_241 = arith.constant 6 : i32
    %eq3A_242 = vector.broadcast %eq3A_241 : i32 to vector<2048x64xi32>
    %eq3A_243 = arith.cmpi eq, %select_n3A, %eq3A_242 : vector<2048x64xi32>
    %jit3A_244 = arith.constant 0xFF800000 : f32
    %broadcast_in_dim3A_245 = vector.broadcast %jit3A_244 : f32 to vector<2048x64xf32>
    %select_n3A_246 = arith.select %eq3A_243, %add3A_28, %broadcast_in_dim3A_245 : vector<2048x64xi1>, vector<2048x64xf32>
    %reduce_max3A_247 = arith.constant dense<0xFF800000> : vector<2048xf32>
    %reduce_max3A_248 = vector.multi_reduction <maximumf>, %select_n3A_246, %reduce_max3A_247 [1] : vector<2048x64xf32> to vector<2048xf32>
    %broadcast_in_dim3A_249 = vector.shape_cast %reduce_max3A_248 : vector<2048xf32> to vector<2048x1xf32>
    %eq3A_250 = vector.broadcast %broadcast_in_dim3A_249 : vector<2048x1xf32> to vector<2048x64xf32>
    %eq3A_251 = arith.cmpf oeq, %select_n3A_246, %eq3A_250 : vector<2048x64xf32>
    %convert_element_type3A_252 = arith.extui %eq3A_251 : vector<2048x64xi1> to vector<2048x64xi32>
    %convert_element_type3A_253 = arith.sitofp %convert_element_type3A_252 : vector<2048x64xi32> to vector<2048x64xf32>
    %dot_general3A_254 = arith.constant dense<0.000000e+00> : vector<2048x64xf32>
    %dot_general3A_255 = tpu.matmul %convert_element_type3A_253, %convert_element_type3A_56, %dot_general3A_254 {dimension_numbers = #tpu.dot_dimension_numbers<[1], [0], [0], [1], [0, 0, 1, 1], [], []>, transpose_lhs_hint = false} : vector<2048x64xf32>, vector<64x64xf32>, vector<2048x64xf32> -> vector<2048x64xf32>
    %eq3A_256 = arith.constant 1.000000e+00 : f32
    %eq3A_257 = vector.broadcast %eq3A_256 : f32 to vector<2048x64xf32>
    %eq3A_258 = arith.cmpf oeq, %dot_general3A_255, %eq3A_257 : vector<2048x64xf32>
    %eq3A_259 = vector.broadcast %broadcast_in_dim3A_249 : vector<2048x1xf32> to vector<2048x64xf32>
    %eq3A_260 = arith.cmpf oeq, %select_n3A_246, %eq3A_259 : vector<2048x64xf32>
    %and3A_261 = arith.andi %eq3A_258, %eq3A_260 : vector<2048x64xi1>
    %jit3A_262 = arith.constant 0xFF800000 : f32
    %broadcast_in_dim3A_263 = vector.broadcast %jit3A_262 : f32 to vector<2048x64xf32>
    %select_n3A_264 = arith.select %and3A_261, %broadcast_in_dim3A_263, %select_n3A_246 : vector<2048x64xi1>, vector<2048x64xf32>
    %reduce_max3A_265 = arith.constant dense<0xFF800000> : vector<2048xf32>
    %reduce_max3A_266 = vector.multi_reduction <maximumf>, %select_n3A_264, %reduce_max3A_265 [1] : vector<2048x64xf32> to vector<2048xf32>
    %broadcast_in_dim3A_267 = vector.shape_cast %reduce_max3A_266 : vector<2048xf32> to vector<2048x1xf32>
    %add3A_268 = arith.addf %broadcast_in_dim3A_249, %broadcast_in_dim3A_267 : vector<2048x1xf32>
    %broadcast_in_dim3A_269 = vector.shape_cast %add3A_268 : vector<2048x1xf32> to vector<2048x1xf32>
    %broadcast_in_dim3A_270 = vector.broadcast %broadcast_in_dim3A_269 : vector<2048x1xf32> to vector<2048x64xf32>
    %select_n3A_271 = arith.select %eq3A_243, %broadcast_in_dim3A_270, %select_n3A_240 : vector<2048x64xi1>, vector<2048x64xf32>
    %eq3A_272 = arith.constant 7 : i32
    %eq3A_273 = vector.broadcast %eq3A_272 : i32 to vector<2048x64xi32>
    %eq3A_274 = arith.cmpi eq, %select_n3A, %eq3A_273 : vector<2048x64xi32>
    %jit3A_275 = arith.constant 0xFF800000 : f32
    %broadcast_in_dim3A_276 = vector.broadcast %jit3A_275 : f32 to vector<2048x64xf32>
    %select_n3A_277 = arith.select %eq3A_274, %add3A_28, %broadcast_in_dim3A_276 : vector<2048x64xi1>, vector<2048x64xf32>
    %reduce_max3A_278 = arith.constant dense<0xFF800000> : vector<2048xf32>
    %reduce_max3A_279 = vector.multi_reduction <maximumf>, %select_n3A_277, %reduce_max3A_278 [1] : vector<2048x64xf32> to vector<2048xf32>
    %broadcast_in_dim3A_280 = vector.shape_cast %reduce_max3A_279 : vector<2048xf32> to vector<2048x1xf32>
    %eq3A_281 = vector.broadcast %broadcast_in_dim3A_280 : vector<2048x1xf32> to vector<2048x64xf32>
    %eq3A_282 = arith.cmpf oeq, %select_n3A_277, %eq3A_281 : vector<2048x64xf32>
    %convert_element_type3A_283 = arith.extui %eq3A_282 : vector<2048x64xi1> to vector<2048x64xi32>
    %convert_element_type3A_284 = arith.sitofp %convert_element_type3A_283 : vector<2048x64xi32> to vector<2048x64xf32>
    %dot_general3A_285 = arith.constant dense<0.000000e+00> : vector<2048x64xf32>
    %dot_general3A_286 = tpu.matmul %convert_element_type3A_284, %convert_element_type3A_56, %dot_general3A_285 {dimension_numbers = #tpu.dot_dimension_numbers<[1], [0], [0], [1], [0, 0, 1, 1], [], []>, transpose_lhs_hint = false} : vector<2048x64xf32>, vector<64x64xf32>, vector<2048x64xf32> -> vector<2048x64xf32>
    %eq3A_287 = arith.constant 1.000000e+00 : f32
    %eq3A_288 = vector.broadcast %eq3A_287 : f32 to vector<2048x64xf32>
    %eq3A_289 = arith.cmpf oeq, %dot_general3A_286, %eq3A_288 : vector<2048x64xf32>
    %eq3A_290 = vector.broadcast %broadcast_in_dim3A_280 : vector<2048x1xf32> to vector<2048x64xf32>
    %eq3A_291 = arith.cmpf oeq, %select_n3A_277, %eq3A_290 : vector<2048x64xf32>
    %and3A_292 = arith.andi %eq3A_289, %eq3A_291 : vector<2048x64xi1>
    %jit3A_293 = arith.constant 0xFF800000 : f32
    %broadcast_in_dim3A_294 = vector.broadcast %jit3A_293 : f32 to vector<2048x64xf32>
    %select_n3A_295 = arith.select %and3A_292, %broadcast_in_dim3A_294, %select_n3A_277 : vector<2048x64xi1>, vector<2048x64xf32>
    %reduce_max3A_296 = arith.constant dense<0xFF800000> : vector<2048xf32>
    %reduce_max3A_297 = vector.multi_reduction <maximumf>, %select_n3A_295, %reduce_max3A_296 [1] : vector<2048x64xf32> to vector<2048xf32>
    %broadcast_in_dim3A_298 = vector.shape_cast %reduce_max3A_297 : vector<2048xf32> to vector<2048x1xf32>
    %add3A_299 = arith.addf %broadcast_in_dim3A_280, %broadcast_in_dim3A_298 : vector<2048x1xf32>
    %broadcast_in_dim3A_300 = vector.shape_cast %add3A_299 : vector<2048x1xf32> to vector<2048x1xf32>
    %broadcast_in_dim3A_301 = vector.broadcast %broadcast_in_dim3A_300 : vector<2048x1xf32> to vector<2048x64xf32>
    %select_n3A_302 = arith.select %eq3A_274, %broadcast_in_dim3A_301, %select_n3A_271 : vector<2048x64xi1>, vector<2048x64xf32>
    %broadcast_in_dim3A_303 = arith.constant 0 : i32
    %broadcast_in_dim3A_304 = vector.broadcast %broadcast_in_dim3A_303 : i32 to vector<2048x64xi32>
    %gt3A = vector.broadcast %add3A_82 : vector<2048x1xf32> to vector<2048x64xf32>
    %gt3A_305 = arith.cmpf ogt, %gt3A, %select_n3A_302 : vector<2048x64xf32>
    %eq3A_306 = vector.broadcast %add3A_82 : vector<2048x1xf32> to vector<2048x64xf32>
    %eq3A_307 = arith.cmpf oeq, %eq3A_306, %select_n3A_302 : vector<2048x64xf32>
    %gt3A_308 = arith.constant 0 : i32
    %gt3A_309 = vector.broadcast %gt3A_308 : i32 to vector<2048x64xi32>
    %gt3A_310 = arith.cmpi sgt, %select_n3A, %gt3A_309 : vector<2048x64xi32>
    %and3A_311 = arith.andi %eq3A_307, %gt3A_310 : vector<2048x64xi1>
    %or3A_312 = arith.ori %gt3A_305, %and3A_311 : vector<2048x64xi1>
    %convert_element_type3A_313 = arith.extui %or3A_312 : vector<2048x64xi1> to vector<2048x64xi32>
    %add3A_314 = arith.addi %broadcast_in_dim3A_304, %convert_element_type3A_313 : vector<2048x64xi32>
    %gt3A_315 = vector.broadcast %add3A_113 : vector<2048x1xf32> to vector<2048x64xf32>
    %gt3A_316 = arith.cmpf ogt, %gt3A_315, %select_n3A_302 : vector<2048x64xf32>
    %eq3A_317 = vector.broadcast %add3A_113 : vector<2048x1xf32> to vector<2048x64xf32>
    %eq3A_318 = arith.cmpf oeq, %eq3A_317, %select_n3A_302 : vector<2048x64xf32>
    %gt3A_319 = arith.constant 1 : i32
    %gt3A_320 = vector.broadcast %gt3A_319 : i32 to vector<2048x64xi32>
    %gt3A_321 = arith.cmpi sgt, %select_n3A, %gt3A_320 : vector<2048x64xi32>
    %and3A_322 = arith.andi %eq3A_318, %gt3A_321 : vector<2048x64xi1>
    %or3A_323 = arith.ori %gt3A_316, %and3A_322 : vector<2048x64xi1>
    %convert_element_type3A_324 = arith.extui %or3A_323 : vector<2048x64xi1> to vector<2048x64xi32>
    %add3A_325 = arith.addi %add3A_314, %convert_element_type3A_324 : vector<2048x64xi32>
    %gt3A_326 = vector.broadcast %add3A_144 : vector<2048x1xf32> to vector<2048x64xf32>
    %gt3A_327 = arith.cmpf ogt, %gt3A_326, %select_n3A_302 : vector<2048x64xf32>
    %eq3A_328 = vector.broadcast %add3A_144 : vector<2048x1xf32> to vector<2048x64xf32>
    %eq3A_329 = arith.cmpf oeq, %eq3A_328, %select_n3A_302 : vector<2048x64xf32>
    %gt3A_330 = arith.constant 2 : i32
    %gt3A_331 = vector.broadcast %gt3A_330 : i32 to vector<2048x64xi32>
    %gt3A_332 = arith.cmpi sgt, %select_n3A, %gt3A_331 : vector<2048x64xi32>
    %and3A_333 = arith.andi %eq3A_329, %gt3A_332 : vector<2048x64xi1>
    %or3A_334 = arith.ori %gt3A_327, %and3A_333 : vector<2048x64xi1>
    %convert_element_type3A_335 = arith.extui %or3A_334 : vector<2048x64xi1> to vector<2048x64xi32>
    %add3A_336 = arith.addi %add3A_325, %convert_element_type3A_335 : vector<2048x64xi32>
    %gt3A_337 = vector.broadcast %add3A_175 : vector<2048x1xf32> to vector<2048x64xf32>
    %gt3A_338 = arith.cmpf ogt, %gt3A_337, %select_n3A_302 : vector<2048x64xf32>
    %eq3A_339 = vector.broadcast %add3A_175 : vector<2048x1xf32> to vector<2048x64xf32>
    %eq3A_340 = arith.cmpf oeq, %eq3A_339, %select_n3A_302 : vector<2048x64xf32>
    %gt3A_341 = arith.constant 3 : i32
    %gt3A_342 = vector.broadcast %gt3A_341 : i32 to vector<2048x64xi32>
    %gt3A_343 = arith.cmpi sgt, %select_n3A, %gt3A_342 : vector<2048x64xi32>
    %and3A_344 = arith.andi %eq3A_340, %gt3A_343 : vector<2048x64xi1>
    %or3A_345 = arith.ori %gt3A_338, %and3A_344 : vector<2048x64xi1>
    %convert_element_type3A_346 = arith.extui %or3A_345 : vector<2048x64xi1> to vector<2048x64xi32>
    %add3A_347 = arith.addi %add3A_336, %convert_element_type3A_346 : vector<2048x64xi32>
    %gt3A_348 = vector.broadcast %add3A_206 : vector<2048x1xf32> to vector<2048x64xf32>
    %gt3A_349 = arith.cmpf ogt, %gt3A_348, %select_n3A_302 : vector<2048x64xf32>
    %eq3A_350 = vector.broadcast %add3A_206 : vector<2048x1xf32> to vector<2048x64xf32>
    %eq3A_351 = arith.cmpf oeq, %eq3A_350, %select_n3A_302 : vector<2048x64xf32>
    %gt3A_352 = arith.constant 4 : i32
    %gt3A_353 = vector.broadcast %gt3A_352 : i32 to vector<2048x64xi32>
    %gt3A_354 = arith.cmpi sgt, %select_n3A, %gt3A_353 : vector<2048x64xi32>
    %and3A_355 = arith.andi %eq3A_351, %gt3A_354 : vector<2048x64xi1>
    %or3A_356 = arith.ori %gt3A_349, %and3A_355 : vector<2048x64xi1>
    %convert_element_type3A_357 = arith.extui %or3A_356 : vector<2048x64xi1> to vector<2048x64xi32>
    %add3A_358 = arith.addi %add3A_347, %convert_element_type3A_357 : vector<2048x64xi32>
    %gt3A_359 = vector.broadcast %add3A_237 : vector<2048x1xf32> to vector<2048x64xf32>
    %gt3A_360 = arith.cmpf ogt, %gt3A_359, %select_n3A_302 : vector<2048x64xf32>
    %eq3A_361 = vector.broadcast %add3A_237 : vector<2048x1xf32> to vector<2048x64xf32>
    %eq3A_362 = arith.cmpf oeq, %eq3A_361, %select_n3A_302 : vector<2048x64xf32>
    %gt3A_363 = arith.constant 5 : i32
    %gt3A_364 = vector.broadcast %gt3A_363 : i32 to vector<2048x64xi32>
    %gt3A_365 = arith.cmpi sgt, %select_n3A, %gt3A_364 : vector<2048x64xi32>
    %and3A_366 = arith.andi %eq3A_362, %gt3A_365 : vector<2048x64xi1>
    %or3A_367 = arith.ori %gt3A_360, %and3A_366 : vector<2048x64xi1>
    %convert_element_type3A_368 = arith.extui %or3A_367 : vector<2048x64xi1> to vector<2048x64xi32>
    %add3A_369 = arith.addi %add3A_358, %convert_element_type3A_368 : vector<2048x64xi32>
    %gt3A_370 = vector.broadcast %add3A_268 : vector<2048x1xf32> to vector<2048x64xf32>
    %gt3A_371 = arith.cmpf ogt, %gt3A_370, %select_n3A_302 : vector<2048x64xf32>
    %eq3A_372 = vector.broadcast %add3A_268 : vector<2048x1xf32> to vector<2048x64xf32>
    %eq3A_373 = arith.cmpf oeq, %eq3A_372, %select_n3A_302 : vector<2048x64xf32>
    %gt3A_374 = arith.constant 6 : i32
    %gt3A_375 = vector.broadcast %gt3A_374 : i32 to vector<2048x64xi32>
    %gt3A_376 = arith.cmpi sgt, %select_n3A, %gt3A_375 : vector<2048x64xi32>
    %and3A_377 = arith.andi %eq3A_373, %gt3A_376 : vector<2048x64xi1>
    %or3A_378 = arith.ori %gt3A_371, %and3A_377 : vector<2048x64xi1>
    %convert_element_type3A_379 = arith.extui %or3A_378 : vector<2048x64xi1> to vector<2048x64xi32>
    %add3A_380 = arith.addi %add3A_369, %convert_element_type3A_379 : vector<2048x64xi32>
    %gt3A_381 = vector.broadcast %add3A_299 : vector<2048x1xf32> to vector<2048x64xf32>
    %gt3A_382 = arith.cmpf ogt, %gt3A_381, %select_n3A_302 : vector<2048x64xf32>
    %eq3A_383 = vector.broadcast %add3A_299 : vector<2048x1xf32> to vector<2048x64xf32>
    %eq3A_384 = arith.cmpf oeq, %eq3A_383, %select_n3A_302 : vector<2048x64xf32>
    %gt3A_385 = arith.constant 7 : i32
    %gt3A_386 = vector.broadcast %gt3A_385 : i32 to vector<2048x64xi32>
    %gt3A_387 = arith.cmpi sgt, %select_n3A, %gt3A_386 : vector<2048x64xi32>
    %and3A_388 = arith.andi %eq3A_384, %gt3A_387 : vector<2048x64xi1>
    %or3A_389 = arith.ori %gt3A_382, %and3A_388 : vector<2048x64xi1>
    %convert_element_type3A_390 = arith.extui %or3A_389 : vector<2048x64xi1> to vector<2048x64xi32>
    %add3A_391 = arith.addi %add3A_380, %convert_element_type3A_390 : vector<2048x64xi32>
    %lt3A = arith.constant 4 : i32
    %lt3A_392 = vector.broadcast %lt3A : i32 to vector<2048x64xi32>
    %lt3A_393 = arith.cmpi slt, %add3A_391, %lt3A_392 : vector<2048x64xi32>
    %jit3A_394 = arith.constant 0xFF800000 : f32
    %broadcast_in_dim3A_395 = vector.broadcast %jit3A_394 : f32 to vector<2048x64xf32>
    %select_n3A_396 = arith.select %lt3A_393, %add3A_28, %broadcast_in_dim3A_395 : vector<2048x64xi1>, vector<2048x64xf32>
    %reduce_max3A_397 = arith.constant dense<0xFF800000> : vector<2048xf32>
    %reduce_max3A_398 = vector.multi_reduction <maximumf>, %select_n3A_396, %reduce_max3A_397 [1] : vector<2048x64xf32> to vector<2048xf32>
    %broadcast_in_dim3A_399 = vector.shape_cast %reduce_max3A_398 : vector<2048xf32> to vector<2048x1xf32>
    %eq3A_400 = vector.broadcast %broadcast_in_dim3A_399 : vector<2048x1xf32> to vector<2048x64xf32>
    %eq3A_401 = arith.cmpf oeq, %select_n3A_396, %eq3A_400 : vector<2048x64xf32>
    %jit3A_402 = arith.constant 64 : i32
    %broadcast_in_dim3A_403 = vector.broadcast %jit3A_402 : i32 to vector<2048x64xi32>
    %select_n3A_404 = arith.select %eq3A_401, %iota3A, %broadcast_in_dim3A_403 : vector<2048x64xi1>, vector<2048x64xi32>
    %reduce_min3A = arith.constant dense<2147483647> : vector<2048xi32>
    %reduce_min3A_405 = vector.multi_reduction <minsi>, %select_n3A_404, %reduce_min3A [1] : vector<2048x64xi32> to vector<2048xi32>
    %broadcast_in_dim3A_406 = vector.shape_cast %reduce_min3A_405 : vector<2048xi32> to vector<2048x1xi32>
    %eq3A_407 = vector.broadcast %broadcast_in_dim3A_406 : vector<2048x1xi32> to vector<2048x64xi32>
    %eq3A_408 = arith.cmpi eq, %iota3A, %eq3A_407 : vector<2048x64xi32>
    %jit3A_409 = arith.constant 0xFF800000 : f32
    %broadcast_in_dim3A_410 = vector.broadcast %jit3A_409 : f32 to vector<2048x64xf32>
    %select_n3A_411 = arith.select %eq3A_408, %broadcast_in_dim3A_410, %select_n3A_396 : vector<2048x64xi1>, vector<2048x64xf32>
    %reduce_max3A_412 = arith.constant dense<0xFF800000> : vector<2048xf32>
    %reduce_max3A_413 = vector.multi_reduction <maximumf>, %select_n3A_411, %reduce_max3A_412 [1] : vector<2048x64xf32> to vector<2048xf32>
    %broadcast_in_dim3A_414 = vector.shape_cast %reduce_max3A_413 : vector<2048xf32> to vector<2048x1xf32>
    %eq3A_415 = vector.broadcast %broadcast_in_dim3A_414 : vector<2048x1xf32> to vector<2048x64xf32>
    %eq3A_416 = arith.cmpf oeq, %select_n3A_411, %eq3A_415 : vector<2048x64xf32>
    %jit3A_417 = arith.constant 64 : i32
    %broadcast_in_dim3A_418 = vector.broadcast %jit3A_417 : i32 to vector<2048x64xi32>
    %select_n3A_419 = arith.select %eq3A_416, %iota3A, %broadcast_in_dim3A_418 : vector<2048x64xi1>, vector<2048x64xi32>
    %reduce_min3A_420 = arith.constant dense<2147483647> : vector<2048xi32>
    %reduce_min3A_421 = vector.multi_reduction <minsi>, %select_n3A_419, %reduce_min3A_420 [1] : vector<2048x64xi32> to vector<2048xi32>
    %broadcast_in_dim3A_422 = vector.shape_cast %reduce_min3A_421 : vector<2048xi32> to vector<2048x1xi32>
    %eq3A_423 = vector.broadcast %broadcast_in_dim3A_422 : vector<2048x1xi32> to vector<2048x64xi32>
    %eq3A_424 = arith.cmpi eq, %iota3A, %eq3A_423 : vector<2048x64xi32>
    %jit3A_425 = arith.constant 0.000000e+00 : f32
    %broadcast_in_dim3A_426 = vector.broadcast %jit3A_425 : f32 to vector<2048x64xf32>
    %select_n3A_427 = arith.select %eq3A_408, %logistic3A_23, %broadcast_in_dim3A_426 : vector<2048x64xi1>, vector<2048x64xf32>
    %reduce_sum3A = arith.constant dense<0.000000e+00> : vector<2048xf32>
    %reduce_sum3A_428 = vector.multi_reduction <add>, %select_n3A_427, %reduce_sum3A [1] : vector<2048x64xf32> to vector<2048xf32>
    %broadcast_in_dim3A_429 = vector.shape_cast %reduce_sum3A_428 : vector<2048xf32> to vector<2048x1xf32>
    %jit3A_430 = arith.constant 0.000000e+00 : f32
    %broadcast_in_dim3A_431 = vector.broadcast %jit3A_430 : f32 to vector<2048x64xf32>
    %select_n3A_432 = arith.select %eq3A_424, %logistic3A_23, %broadcast_in_dim3A_431 : vector<2048x64xi1>, vector<2048x64xf32>
    %reduce_sum3A_433 = arith.constant dense<0.000000e+00> : vector<2048xf32>
    %reduce_sum3A_434 = vector.multi_reduction <add>, %select_n3A_432, %reduce_sum3A_433 [1] : vector<2048x64xf32> to vector<2048xf32>
    %broadcast_in_dim3A_435 = vector.shape_cast %reduce_sum3A_434 : vector<2048xf32> to vector<2048x1xf32>
    %add3A_436 = arith.addf %broadcast_in_dim3A_429, %broadcast_in_dim3A_435 : vector<2048x1xf32>
    %add3A_437 = arith.constant 9.99999968E-21 : f32
    %add3A_438 = vector.broadcast %add3A_437 : f32 to vector<2048x1xf32>
    %add3A_439 = arith.addf %add3A_436, %add3A_438 : vector<2048x1xf32>
    %mul3A = arith.constant 2.500000e+00 : f32
    %mul3A_440 = vector.broadcast %mul3A : f32 to vector<2048x1xf32>
    %mul3A_441 = arith.mulf %mul3A_440, %broadcast_in_dim3A_429 : vector<2048x1xf32>
    %div3A_442 = arith.divf %mul3A_441, %add3A_439 : vector<2048x1xf32>
    %mul3A_443 = arith.constant 2.500000e+00 : f32
    %mul3A_444 = vector.broadcast %mul3A_443 : f32 to vector<2048x1xf32>
    %mul3A_445 = arith.mulf %mul3A_444, %broadcast_in_dim3A_435 : vector<2048x1xf32>
    %div3A_446 = arith.divf %mul3A_445, %add3A_439 : vector<2048x1xf32>
    %convert_element_type3A_447 = arith.extui %eq3A_408 : vector<2048x64xi1> to vector<2048x64xi32>
    %convert_element_type3A_448 = arith.sitofp %convert_element_type3A_447 : vector<2048x64xi32> to vector<2048x64xf32>
    %convert_element_type3A_449 = arith.extui %eq3A_424 : vector<2048x64xi1> to vector<2048x64xi32>
    %convert_element_type3A_450 = arith.sitofp %convert_element_type3A_449 : vector<2048x64xi32> to vector<2048x64xf32>
    %add3A_451 = arith.addf %convert_element_type3A_448, %convert_element_type3A_450 : vector<2048x64xf32>
    %iota3A_452 = tpu.iota {dimensions = array<i32: 0>} : vector<256x256xi32>
    %iota3A_453 = tpu.iota {dimensions = array<i32: 1>} : vector<256x256xi32>
    %gt3A_454 = arith.cmpi sgt, %iota3A_452, %iota3A_453 : vector<256x256xi32>
    %convert_element_type3A_455 = arith.extui %gt3A_454 : vector<256x256xi1> to vector<256x256xi32>
    %convert_element_type3A_456 = arith.sitofp %convert_element_type3A_455 : vector<256x256xi32> to vector<256x256xf32>
    %broadcast_in_dim3A_457 = arith.constant 0.000000e+00 : f32
    %broadcast_in_dim3A_458 = vector.broadcast %broadcast_in_dim3A_457 : f32 to vector<8x64xf32>
    %slice3A_459 = vector.extract_strided_slice %add3A_451 {offsets = [0, 0], sizes = [256, 64], strides = [1, 1]} : vector<2048x64xf32> to vector<256x64xf32>
    %dot_general3A_460 = arith.constant dense<0.000000e+00> : vector<256x64xf32>
    %dot_general3A_461 = tpu.matmul %convert_element_type3A_456, %slice3A_459, %dot_general3A_460 {dimension_numbers = #tpu.dot_dimension_numbers<[1], [0], [0], [1], [0, 0, 1, 1], [], []>, transpose_lhs_hint = false} : vector<256x256xf32>, vector<256x64xf32>, vector<256x64xf32> -> vector<256x64xf32>
    %slice3A_462 = vector.extract_strided_slice %broadcast_in_dim3A_458 {offsets = [0, 0], sizes = [1, 64], strides = [1, 1]} : vector<8x64xf32> to vector<1x64xf32>
    %add3A_463 = vector.broadcast %slice3A_462 : vector<1x64xf32> to vector<256x64xf32>
    %add3A_464 = arith.addf %dot_general3A_461, %add3A_463 : vector<256x64xf32>
    %reduce_sum3A_465 = arith.constant dense<0.000000e+00> : vector<64xf32>
    %reduce_sum3A_466 = vector.multi_reduction <add>, %slice3A_459, %reduce_sum3A_465 [0] : vector<256x64xf32> to vector<64xf32>
    %broadcast_in_dim3A_467 = vector.shape_cast %reduce_sum3A_466 : vector<64xf32> to vector<1x64xf32>
    %add3A_468 = vector.broadcast %broadcast_in_dim3A_467 : vector<1x64xf32> to vector<8x64xf32>
    %add3A_469 = arith.addf %broadcast_in_dim3A_458, %add3A_468 : vector<8x64xf32>
    %slice3A_470 = vector.extract_strided_slice %add3A_451 {offsets = [256, 0], sizes = [256, 64], strides = [1, 1]} : vector<2048x64xf32> to vector<256x64xf32>
    %dot_general3A_471 = arith.constant dense<0.000000e+00> : vector<256x64xf32>
    %dot_general3A_472 = tpu.matmul %convert_element_type3A_456, %slice3A_470, %dot_general3A_471 {dimension_numbers = #tpu.dot_dimension_numbers<[1], [0], [0], [1], [0, 0, 1, 1], [], []>, transpose_lhs_hint = false} : vector<256x256xf32>, vector<256x64xf32>, vector<256x64xf32> -> vector<256x64xf32>
    %slice3A_473 = vector.extract_strided_slice %add3A_469 {offsets = [0, 0], sizes = [1, 64], strides = [1, 1]} : vector<8x64xf32> to vector<1x64xf32>
    %add3A_474 = vector.broadcast %slice3A_473 : vector<1x64xf32> to vector<256x64xf32>
    %add3A_475 = arith.addf %dot_general3A_472, %add3A_474 : vector<256x64xf32>
    %reduce_sum3A_476 = arith.constant dense<0.000000e+00> : vector<64xf32>
    %reduce_sum3A_477 = vector.multi_reduction <add>, %slice3A_470, %reduce_sum3A_476 [0] : vector<256x64xf32> to vector<64xf32>
    %broadcast_in_dim3A_478 = vector.shape_cast %reduce_sum3A_477 : vector<64xf32> to vector<1x64xf32>
    %add3A_479 = vector.broadcast %broadcast_in_dim3A_478 : vector<1x64xf32> to vector<8x64xf32>
    %add3A_480 = arith.addf %add3A_469, %add3A_479 : vector<8x64xf32>
    %slice3A_481 = vector.extract_strided_slice %add3A_451 {offsets = [512, 0], sizes = [256, 64], strides = [1, 1]} : vector<2048x64xf32> to vector<256x64xf32>
    %dot_general3A_482 = arith.constant dense<0.000000e+00> : vector<256x64xf32>
    %dot_general3A_483 = tpu.matmul %convert_element_type3A_456, %slice3A_481, %dot_general3A_482 {dimension_numbers = #tpu.dot_dimension_numbers<[1], [0], [0], [1], [0, 0, 1, 1], [], []>, transpose_lhs_hint = false} : vector<256x256xf32>, vector<256x64xf32>, vector<256x64xf32> -> vector<256x64xf32>
    %slice3A_484 = vector.extract_strided_slice %add3A_480 {offsets = [0, 0], sizes = [1, 64], strides = [1, 1]} : vector<8x64xf32> to vector<1x64xf32>
    %add3A_485 = vector.broadcast %slice3A_484 : vector<1x64xf32> to vector<256x64xf32>
    %add3A_486 = arith.addf %dot_general3A_483, %add3A_485 : vector<256x64xf32>
    %reduce_sum3A_487 = arith.constant dense<0.000000e+00> : vector<64xf32>
    %reduce_sum3A_488 = vector.multi_reduction <add>, %slice3A_481, %reduce_sum3A_487 [0] : vector<256x64xf32> to vector<64xf32>
    %broadcast_in_dim3A_489 = vector.shape_cast %reduce_sum3A_488 : vector<64xf32> to vector<1x64xf32>
    %add3A_490 = vector.broadcast %broadcast_in_dim3A_489 : vector<1x64xf32> to vector<8x64xf32>
    %add3A_491 = arith.addf %add3A_480, %add3A_490 : vector<8x64xf32>
    %slice3A_492 = vector.extract_strided_slice %add3A_451 {offsets = [768, 0], sizes = [256, 64], strides = [1, 1]} : vector<2048x64xf32> to vector<256x64xf32>
    %dot_general3A_493 = arith.constant dense<0.000000e+00> : vector<256x64xf32>
    %dot_general3A_494 = tpu.matmul %convert_element_type3A_456, %slice3A_492, %dot_general3A_493 {dimension_numbers = #tpu.dot_dimension_numbers<[1], [0], [0], [1], [0, 0, 1, 1], [], []>, transpose_lhs_hint = false} : vector<256x256xf32>, vector<256x64xf32>, vector<256x64xf32> -> vector<256x64xf32>
    %slice3A_495 = vector.extract_strided_slice %add3A_491 {offsets = [0, 0], sizes = [1, 64], strides = [1, 1]} : vector<8x64xf32> to vector<1x64xf32>
    %add3A_496 = vector.broadcast %slice3A_495 : vector<1x64xf32> to vector<256x64xf32>
    %add3A_497 = arith.addf %dot_general3A_494, %add3A_496 : vector<256x64xf32>
    %reduce_sum3A_498 = arith.constant dense<0.000000e+00> : vector<64xf32>
    %reduce_sum3A_499 = vector.multi_reduction <add>, %slice3A_492, %reduce_sum3A_498 [0] : vector<256x64xf32> to vector<64xf32>
    %broadcast_in_dim3A_500 = vector.shape_cast %reduce_sum3A_499 : vector<64xf32> to vector<1x64xf32>
    %add3A_501 = vector.broadcast %broadcast_in_dim3A_500 : vector<1x64xf32> to vector<8x64xf32>
    %add3A_502 = arith.addf %add3A_491, %add3A_501 : vector<8x64xf32>
    %slice3A_503 = vector.extract_strided_slice %add3A_451 {offsets = [1024, 0], sizes = [256, 64], strides = [1, 1]} : vector<2048x64xf32> to vector<256x64xf32>
    %dot_general3A_504 = arith.constant dense<0.000000e+00> : vector<256x64xf32>
    %dot_general3A_505 = tpu.matmul %convert_element_type3A_456, %slice3A_503, %dot_general3A_504 {dimension_numbers = #tpu.dot_dimension_numbers<[1], [0], [0], [1], [0, 0, 1, 1], [], []>, transpose_lhs_hint = false} : vector<256x256xf32>, vector<256x64xf32>, vector<256x64xf32> -> vector<256x64xf32>
    %slice3A_506 = vector.extract_strided_slice %add3A_502 {offsets = [0, 0], sizes = [1, 64], strides = [1, 1]} : vector<8x64xf32> to vector<1x64xf32>
    %add3A_507 = vector.broadcast %slice3A_506 : vector<1x64xf32> to vector<256x64xf32>
    %add3A_508 = arith.addf %dot_general3A_505, %add3A_507 : vector<256x64xf32>
    %reduce_sum3A_509 = arith.constant dense<0.000000e+00> : vector<64xf32>
    %reduce_sum3A_510 = vector.multi_reduction <add>, %slice3A_503, %reduce_sum3A_509 [0] : vector<256x64xf32> to vector<64xf32>
    %broadcast_in_dim3A_511 = vector.shape_cast %reduce_sum3A_510 : vector<64xf32> to vector<1x64xf32>
    %add3A_512 = vector.broadcast %broadcast_in_dim3A_511 : vector<1x64xf32> to vector<8x64xf32>
    %add3A_513 = arith.addf %add3A_502, %add3A_512 : vector<8x64xf32>
    %slice3A_514 = vector.extract_strided_slice %add3A_451 {offsets = [1280, 0], sizes = [256, 64], strides = [1, 1]} : vector<2048x64xf32> to vector<256x64xf32>
    %dot_general3A_515 = arith.constant dense<0.000000e+00> : vector<256x64xf32>
    %dot_general3A_516 = tpu.matmul %convert_element_type3A_456, %slice3A_514, %dot_general3A_515 {dimension_numbers = #tpu.dot_dimension_numbers<[1], [0], [0], [1], [0, 0, 1, 1], [], []>, transpose_lhs_hint = false} : vector<256x256xf32>, vector<256x64xf32>, vector<256x64xf32> -> vector<256x64xf32>
    %slice3A_517 = vector.extract_strided_slice %add3A_513 {offsets = [0, 0], sizes = [1, 64], strides = [1, 1]} : vector<8x64xf32> to vector<1x64xf32>
    %add3A_518 = vector.broadcast %slice3A_517 : vector<1x64xf32> to vector<256x64xf32>
    %add3A_519 = arith.addf %dot_general3A_516, %add3A_518 : vector<256x64xf32>
    %reduce_sum3A_520 = arith.constant dense<0.000000e+00> : vector<64xf32>
    %reduce_sum3A_521 = vector.multi_reduction <add>, %slice3A_514, %reduce_sum3A_520 [0] : vector<256x64xf32> to vector<64xf32>
    %broadcast_in_dim3A_522 = vector.shape_cast %reduce_sum3A_521 : vector<64xf32> to vector<1x64xf32>
    %add3A_523 = vector.broadcast %broadcast_in_dim3A_522 : vector<1x64xf32> to vector<8x64xf32>
    %add3A_524 = arith.addf %add3A_513, %add3A_523 : vector<8x64xf32>
    %slice3A_525 = vector.extract_strided_slice %add3A_451 {offsets = [1536, 0], sizes = [256, 64], strides = [1, 1]} : vector<2048x64xf32> to vector<256x64xf32>
    %dot_general3A_526 = arith.constant dense<0.000000e+00> : vector<256x64xf32>
    %dot_general3A_527 = tpu.matmul %convert_element_type3A_456, %slice3A_525, %dot_general3A_526 {dimension_numbers = #tpu.dot_dimension_numbers<[1], [0], [0], [1], [0, 0, 1, 1], [], []>, transpose_lhs_hint = false} : vector<256x256xf32>, vector<256x64xf32>, vector<256x64xf32> -> vector<256x64xf32>
    %slice3A_528 = vector.extract_strided_slice %add3A_524 {offsets = [0, 0], sizes = [1, 64], strides = [1, 1]} : vector<8x64xf32> to vector<1x64xf32>
    %add3A_529 = vector.broadcast %slice3A_528 : vector<1x64xf32> to vector<256x64xf32>
    %add3A_530 = arith.addf %dot_general3A_527, %add3A_529 : vector<256x64xf32>
    %reduce_sum3A_531 = arith.constant dense<0.000000e+00> : vector<64xf32>
    %reduce_sum3A_532 = vector.multi_reduction <add>, %slice3A_525, %reduce_sum3A_531 [0] : vector<256x64xf32> to vector<64xf32>
    %broadcast_in_dim3A_533 = vector.shape_cast %reduce_sum3A_532 : vector<64xf32> to vector<1x64xf32>
    %add3A_534 = vector.broadcast %broadcast_in_dim3A_533 : vector<1x64xf32> to vector<8x64xf32>
    %add3A_535 = arith.addf %add3A_524, %add3A_534 : vector<8x64xf32>
    %slice3A_536 = vector.extract_strided_slice %add3A_451 {offsets = [1792, 0], sizes = [256, 64], strides = [1, 1]} : vector<2048x64xf32> to vector<256x64xf32>
    %dot_general3A_537 = arith.constant dense<0.000000e+00> : vector<256x64xf32>
    %dot_general3A_538 = tpu.matmul %convert_element_type3A_456, %slice3A_536, %dot_general3A_537 {dimension_numbers = #tpu.dot_dimension_numbers<[1], [0], [0], [1], [0, 0, 1, 1], [], []>, transpose_lhs_hint = false} : vector<256x256xf32>, vector<256x64xf32>, vector<256x64xf32> -> vector<256x64xf32>
    %slice3A_539 = vector.extract_strided_slice %add3A_535 {offsets = [0, 0], sizes = [1, 64], strides = [1, 1]} : vector<8x64xf32> to vector<1x64xf32>
    %add3A_540 = vector.broadcast %slice3A_539 : vector<1x64xf32> to vector<256x64xf32>
    %add3A_541 = arith.addf %dot_general3A_538, %add3A_540 : vector<256x64xf32>
    %reduce_sum3A_542 = arith.constant dense<0.000000e+00> : vector<64xf32>
    %reduce_sum3A_543 = vector.multi_reduction <add>, %slice3A_536, %reduce_sum3A_542 [0] : vector<256x64xf32> to vector<64xf32>
    %broadcast_in_dim3A_544 = vector.shape_cast %reduce_sum3A_543 : vector<64xf32> to vector<1x64xf32>
    %add3A_545 = vector.broadcast %broadcast_in_dim3A_544 : vector<1x64xf32> to vector<8x64xf32>
    %add3A_546 = arith.addf %add3A_535, %add3A_545 : vector<8x64xf32>
    %concatenate3A = tpu.concatenate %add3A_464, %add3A_475, %add3A_486, %add3A_497, %add3A_508, %add3A_519, %add3A_530, %add3A_541 in 0 : vector<256x64xf32>, vector<256x64xf32>, vector<256x64xf32>, vector<256x64xf32>, vector<256x64xf32>, vector<256x64xf32>, vector<256x64xf32>, vector<256x64xf32> -> vector<2048x64xf32>
    %add3A_547 = arith.constant 2.550000e+02 : f32
    %add3A_548 = vector.broadcast %add3A_547 : f32 to vector<8x64xf32>
    %add3A_549 = arith.addf %add3A_546, %add3A_548 : vector<8x64xf32>
    %div3A_550 = arith.constant 2.560000e+02 : f32
    %div3A_551 = vector.broadcast %div3A_550 : f32 to vector<8x64xf32>
    %div3A_552 = arith.divf %add3A_549, %div3A_551 : vector<8x64xf32>
    %floor3A = math.floor %div3A_552 : vector<8x64xf32>
    %iota3A_553 = tpu.iota {dimensions = array<i32: 0>} : vector<64x64xi32>
    %iota3A_554 = tpu.iota {dimensions = array<i32: 1>} : vector<64x64xi32>
    %lt3A_555 = arith.cmpi slt, %iota3A_553, %iota3A_554 : vector<64x64xi32>
    %convert_element_type3A_556 = arith.extui %lt3A_555 : vector<64x64xi1> to vector<64x64xi32>
    %convert_element_type3A_557 = arith.sitofp %convert_element_type3A_556 : vector<64x64xi32> to vector<64x64xf32>
    %dot_general3A_558 = arith.constant dense<0.000000e+00> : vector<8x64xf32>
    %dot_general3A_559 = tpu.matmul %floor3A, %convert_element_type3A_557, %dot_general3A_558 {dimension_numbers = #tpu.dot_dimension_numbers<[1], [0], [0], [1], [0, 0, 1, 1], [], []>, transpose_lhs_hint = false} : vector<8x64xf32>, vector<64x64xf32>, vector<8x64xf32> -> vector<8x64xf32>
    %slice3A_560 = vector.extract_strided_slice %dot_general3A_559 {offsets = [0, 0], sizes = [1, 64], strides = [1, 1]} : vector<8x64xf32> to vector<1x64xf32>
    %mul3A_561 = arith.constant 2.560000e+02 : f32
    %mul3A_562 = vector.broadcast %mul3A_561 : f32 to vector<1x64xf32>
    %mul3A_563 = arith.mulf %slice3A_560, %mul3A_562 : vector<1x64xf32>
    %add3A_564 = vector.broadcast %mul3A_563 : vector<1x64xf32> to vector<2048x64xf32>
    %add3A_565 = arith.addf %add3A_564, %concatenate3A : vector<2048x64xf32>
    %jit3A_566 = arith.constant 0.000000e+00 : f32
    %broadcast_in_dim3A_567 = vector.broadcast %jit3A_566 : f32 to vector<2048x64xf32>
    %select_n3A_568 = arith.select %eq3A_408, %add3A_565, %broadcast_in_dim3A_567 : vector<2048x64xi1>, vector<2048x64xf32>
    %reduce_sum3A_569 = arith.constant dense<0.000000e+00> : vector<2048xf32>
    %reduce_sum3A_570 = vector.multi_reduction <add>, %select_n3A_568, %reduce_sum3A_569 [1] : vector<2048x64xf32> to vector<2048xf32>
    %broadcast_in_dim3A_571 = vector.shape_cast %reduce_sum3A_570 : vector<2048xf32> to vector<2048x1xf32>
    %add3A_572 = vector.broadcast %mul3A_563 : vector<1x64xf32> to vector<2048x64xf32>
    %add3A_573 = arith.addf %add3A_572, %concatenate3A : vector<2048x64xf32>
    %jit3A_574 = arith.constant 0.000000e+00 : f32
    %broadcast_in_dim3A_575 = vector.broadcast %jit3A_574 : f32 to vector<2048x64xf32>
    %select_n3A_576 = arith.select %eq3A_424, %add3A_573, %broadcast_in_dim3A_575 : vector<2048x64xi1>, vector<2048x64xf32>
    %reduce_sum3A_577 = arith.constant dense<0.000000e+00> : vector<2048xf32>
    %reduce_sum3A_578 = vector.multi_reduction <add>, %select_n3A_576, %reduce_sum3A_577 [1] : vector<2048x64xf32> to vector<2048xf32>
    %broadcast_in_dim3A_579 = vector.shape_cast %reduce_sum3A_578 : vector<2048xf32> to vector<2048x1xf32>
    %iota3A_580 = tpu.iota {dimensions = array<i32: 1>} : vector<2048x128xi32>
    %lt3A_581 = arith.constant 16 : i32
    %lt3A_582 = vector.broadcast %lt3A_581 : i32 to vector<2048x128xi32>
    %lt3A_583 = arith.cmpi slt, %iota3A_580, %lt3A_582 : vector<2048x128xi32>
    %jit3A_584 = arith.constant 0.000000e+00 : f32
    %broadcast_in_dim3A_585 = vector.shape_cast %div3A_442 : vector<2048x1xf32> to vector<2048x1xf32>
    %broadcast_in_dim3A_586 = vector.broadcast %broadcast_in_dim3A_585 : vector<2048x1xf32> to vector<2048x128xf32>
    %broadcast_in_dim3A_587 = vector.broadcast %jit3A_584 : f32 to vector<2048x128xf32>
    %select_n3A_588 = arith.select %lt3A_583, %broadcast_in_dim3A_586, %broadcast_in_dim3A_587 : vector<2048x128xi1>, vector<2048x128xf32>
    %ge3A = arith.constant 16 : i32
    %ge3A_589 = vector.broadcast %ge3A : i32 to vector<2048x128xi32>
    %ge3A_590 = arith.cmpi sge, %iota3A_580, %ge3A_589 : vector<2048x128xi32>
    %lt3A_591 = arith.constant 32 : i32
    %lt3A_592 = vector.broadcast %lt3A_591 : i32 to vector<2048x128xi32>
    %lt3A_593 = arith.cmpi slt, %iota3A_580, %lt3A_592 : vector<2048x128xi32>
    %and3A_594 = arith.andi %ge3A_590, %lt3A_593 : vector<2048x128xi1>
    %broadcast_in_dim3A_595 = vector.shape_cast %div3A_446 : vector<2048x1xf32> to vector<2048x1xf32>
    %broadcast_in_dim3A_596 = vector.broadcast %broadcast_in_dim3A_595 : vector<2048x1xf32> to vector<2048x128xf32>
    %select_n3A_597 = arith.select %and3A_594, %broadcast_in_dim3A_596, %select_n3A_588 : vector<2048x128xi1>, vector<2048x128xf32>
    %eq3A_598 = arith.constant 32 : i32
    %eq3A_599 = vector.broadcast %eq3A_598 : i32 to vector<2048x128xi32>
    %eq3A_600 = arith.cmpi eq, %iota3A_580, %eq3A_599 : vector<2048x128xi32>
    %broadcast_in_dim3A_601 = vector.shape_cast %broadcast_in_dim3A_571 : vector<2048x1xf32> to vector<2048x1xf32>
    %broadcast_in_dim3A_602 = vector.broadcast %broadcast_in_dim3A_601 : vector<2048x1xf32> to vector<2048x128xf32>
    %select_n3A_603 = arith.select %eq3A_600, %broadcast_in_dim3A_602, %select_n3A_597 : vector<2048x128xi1>, vector<2048x128xf32>
    %eq3A_604 = arith.constant 33 : i32
    %eq3A_605 = vector.broadcast %eq3A_604 : i32 to vector<2048x128xi32>
    %eq3A_606 = arith.cmpi eq, %iota3A_580, %eq3A_605 : vector<2048x128xi32>
    %broadcast_in_dim3A_607 = vector.shape_cast %broadcast_in_dim3A_579 : vector<2048x1xf32> to vector<2048x1xf32>
    %broadcast_in_dim3A_608 = vector.broadcast %broadcast_in_dim3A_607 : vector<2048x1xf32> to vector<2048x128xf32>
    %select_n3A_609 = arith.select %eq3A_606, %broadcast_in_dim3A_608, %select_n3A_603 : vector<2048x128xi1>, vector<2048x128xf32>
    %swap3A_610 = arith.constant 0 : index
    %swap3A_611 = arith.constant 0 : index
    %swap3A_612 = vector.load %arg3[%swap3A_610, %swap3A_611] : memref<2048x128xf32, #tpu.memory_space<vmem>>, vector<2048x128xf32>
    tpu.vector_store %arg3[%swap3A_610, %swap3A_611], %select_n3A_609 {strides = array<i32>} : memref<2048x128xf32, #tpu.memory_space<vmem>>, vector<2048x128xf32>,
    %iota3A_613 = tpu.iota {dimensions = array<i32: 0>} : vector<80x64xi32>
    %convert_element_type3A_614 = arith.sitofp %iota3A_613 : vector<80x64xi32> to vector<80x64xf32>
    %slice3A_615 = vector.extract_strided_slice %dot_general3A_559 {offsets = [0, 0], sizes = [1, 64], strides = [1, 1]} : vector<8x64xf32> to vector<1x64xf32>
    %broadcast_in_dim3A_616 = vector.shape_cast %slice3A_615 : vector<1x64xf32> to vector<1x64xf32>
    %broadcast_in_dim3A_617 = vector.broadcast %broadcast_in_dim3A_616 : vector<1x64xf32> to vector<80x64xf32>
    %le3A_618 = arith.cmpf ole, %broadcast_in_dim3A_617, %convert_element_type3A_614 : vector<80x64xf32>
    %convert_element_type3A_619 = arith.extui %le3A_618 : vector<80x64xi1> to vector<80x64xi32>
    %reduce_sum3A_620 = arith.constant dense<0> : vector<80xi32>
    %reduce_sum3A_621 = vector.multi_reduction <add>, %convert_element_type3A_619, %reduce_sum3A_620 [1] : vector<80x64xi32> to vector<80xi32>
    %broadcast_in_dim3A_622 = vector.shape_cast %reduce_sum3A_621 : vector<80xi32> to vector<80x1xi32>
    %sub3A_623 = arith.constant 1 : i32
    %sub3A_624 = vector.broadcast %sub3A_623 : i32 to vector<80x1xi32>
    %sub3A_625 = arith.subi %broadcast_in_dim3A_622, %sub3A_624 : vector<80x1xi32>
    %slice3A_626 = vector.extract_strided_slice %floor3A {offsets = [0, 0], sizes = [1, 64], strides = [1, 1]} : vector<8x64xf32> to vector<1x64xf32>
    %reduce_sum3A_627 = arith.constant dense<0.000000e+00> : vector<1xf32>
    %reduce_sum3A_628 = vector.multi_reduction <add>, %slice3A_626, %reduce_sum3A_627 [1] : vector<1x64xf32> to vector<1xf32>
    %broadcast_in_dim3A_629 = vector.shape_cast %reduce_sum3A_628 : vector<1xf32> to vector<1x1xf32>
    %convert_element_type3A_630 = arith.fptosi %broadcast_in_dim3A_629 : vector<1x1xf32> to vector<1x1xi32>
    %broadcast_in_dim3A_631 = vector.shape_cast %sub3A_625 : vector<80x1xi32> to vector<80x1xi32>
    %broadcast_in_dim3A_632 = vector.broadcast %broadcast_in_dim3A_631 : vector<80x1xi32> to vector<80x128xi32>
    %iota3A_633 = tpu.iota {dimensions = array<i32: 1>} : vector<80x128xi32>
    %iota3A_634 = tpu.iota {dimensions = array<i32: 0>} : vector<80x128xi32>
    %eq3A_635 = arith.constant 1 : i32
    %eq3A_636 = vector.broadcast %eq3A_635 : i32 to vector<80x128xi32>
    %eq3A_637 = arith.cmpi eq, %iota3A_633, %eq3A_636 : vector<80x128xi32>
    %eq3A_638 = arith.constant 0 : i32
    %eq3A_639 = vector.broadcast %eq3A_638 : i32 to vector<80x128xi32>
    %eq3A_640 = arith.cmpi eq, %iota3A_634, %eq3A_639 : vector<80x128xi32>
    %and3A_641 = arith.andi %eq3A_637, %eq3A_640 : vector<80x128xi1>
    %broadcast_in_dim3A_642 = vector.shape_cast %convert_element_type3A_630 : vector<1x1xi32> to vector<1x1xi32>
    %broadcast_in_dim3A_643 = vector.broadcast %broadcast_in_dim3A_642 : vector<1x1xi32> to vector<80x128xi32>
    %select_n3A_644 = arith.select %and3A_641, %broadcast_in_dim3A_643, %broadcast_in_dim3A_632 : vector<80x128xi1>, vector<80x128xi32>
    %swap3A_645 = arith.constant 0 : index
    %swap3A_646 = arith.constant 0 : index
    %swap3A_647 = vector.load %arg4[%swap3A_645, %swap3A_646] : memref<80x128xi32, #tpu.memory_space<vmem>>, vector<80x128xi32>
    tpu.vector_store %arg4[%swap3A_645, %swap3A_646], %select_n3A_644 {strides = array<i32>} : memref<80x128xi32, #tpu.memory_space<vmem>>, vector<80x128xi32>,
    return
  }
}

module attributes {stable_mosaic.version = 14 : i64} {
  func.func @_gmm_body(%arg0: i32, %arg1: memref<80xi32, #tpu.memory_space<smem>>, %arg2: memref<1xi32, #tpu.memory_space<smem>>, %arg3: memref<256x384xi32, #tpu.memory_space<vmem>>, %arg4: memref<1x768x256xf32, #tpu.memory_space<vmem>>, %arg5: memref<1x256x768xf32, #tpu.memory_space<vmem>>, %arg6: memref<256x384xi32, #tpu.memory_space<vmem>>) attributes {dimension_semantics = [#tpu.dimension_semantics<arbitrary>], iteration_bounds = array<i64: 80>, scalar_prefetch = 2 : i64, scratch_operands = 0 : i64, tpu.core_type = #tpu.core_type<tc>, window_params = [{transform_indices = @transform_0, window_bounds = array<i64: 256, 384>}, {transform_indices = @transform_1, window_bounds = array<i64: 1, 768, 256>}, {transform_indices = @transform_2, window_bounds = array<i64: 1, 256, 768>}, {transform_indices = @transform_3, window_bounds = array<i64: 256, 384>}]} {
    %get3A = arith.constant 0 : index
    %get3A_0 = memref.load %arg2[%get3A] : memref<1xi32, #tpu.memory_space<smem>>
    %lt3A = arith.cmpi slt, %arg0, %get3A_0 : i32
    %convert_element_type3A = arith.extui %lt3A : i1 to i32
    %cond3A = arith.constant 0 : i32
    %cond3A_1 = arith.cmpi ne, %convert_element_type3A, %cond3A : i32
    scf.if %cond3A_1 {
      %get3A_2 = arith.constant 0 : index
      %get3A_3 = arith.constant 0 : index
      %get3A_4 = vector.load %arg3[%get3A_2, %get3A_3] : memref<256x384xi32, #tpu.memory_space<vmem>>, vector<256x384xi32>
      %and3A = arith.constant -65536 : i32
      %and3A_5 = vector.broadcast %and3A : i32 to vector<256x384xi32>
      %and3A_6 = arith.andi %get3A_4, %and3A_5 : vector<256x384xi32>
      %bitcast_convert_type3A = tpu.bitcast %and3A_6 : vector<256x384xi32> -> vector<256x384xf32>
      %shift_left3A = arith.constant 16 : i32
      %shift_left3A_7 = vector.broadcast %shift_left3A : i32 to vector<256x384xi32>
      %shift_left3A_8 = arith.shli %get3A_4, %shift_left3A_7 : vector<256x384xi32>
      %bitcast_convert_type3A_9 = tpu.bitcast %shift_left3A_8 : vector<256x384xi32> -> vector<256x384xf32>
      %concatenate3A = tpu.concatenate %bitcast_convert_type3A, %bitcast_convert_type3A_9 in 1 : vector<256x384xf32>, vector<256x384xf32> -> vector<256x768xf32>
      %convert_element_type3A_10 = arith.truncf %concatenate3A : vector<256x768xf32> to vector<256x768xbf16>
      %get3A_11 = arith.constant 0 : index
      %get3A_12 = arith.constant 0 : index
      %get3A_13 = arith.constant 0 : index
      %get3A_14 = vector.load %arg4[%get3A_11, %get3A_12, %get3A_13] : memref<1x768x256xf32, #tpu.memory_space<vmem>>, vector<1x768x256xf32>
      %get3A_15 = vector.shape_cast %get3A_14 : vector<1x768x256xf32> to vector<768x256xf32>
      %convert_element_type3A_16 = arith.truncf %get3A_15 : vector<768x256xf32> to vector<768x256xbf16>
      %dot_general3A = arith.constant dense<0.000000e+00> : vector<256x256xf32>
      %dot_general3A_17 = tpu.matmul %convert_element_type3A_10, %convert_element_type3A_16, %dot_general3A {dimension_numbers = #tpu.dot_dimension_numbers<[1], [0], [0], [1], [0, 0, 1, 1], [], []>, transpose_lhs_hint = false} : vector<256x768xbf16>, vector<768x256xbf16>, vector<256x256xf32> -> vector<256x256xf32>
      %max3A = arith.constant 0.000000e+00 : f32
      %max3A_18 = vector.broadcast %max3A : f32 to vector<256x256xf32>
      %max3A_19 = arith.maximumf %dot_general3A_17, %max3A_18 : vector<256x256xf32>
      %square3A = arith.mulf %max3A_19, %max3A_19 : vector<256x256xf32>
      %convert_element_type3A_20 = arith.truncf %square3A : vector<256x256xf32> to vector<256x256xbf16>
      %get3A_21 = arith.constant 0 : index
      %get3A_22 = arith.constant 0 : index
      %get3A_23 = arith.constant 0 : index
      %get3A_24 = vector.load %arg5[%get3A_21, %get3A_22, %get3A_23] : memref<1x256x768xf32, #tpu.memory_space<vmem>>, vector<1x256x768xf32>
      %get3A_25 = vector.shape_cast %get3A_24 : vector<1x256x768xf32> to vector<256x768xf32>
      %convert_element_type3A_26 = arith.truncf %get3A_25 : vector<256x768xf32> to vector<256x768xbf16>
      %dot_general3A_27 = arith.constant dense<0.000000e+00> : vector<256x768xf32>
      %dot_general3A_28 = tpu.matmul %convert_element_type3A_20, %convert_element_type3A_26, %dot_general3A_27 {dimension_numbers = #tpu.dot_dimension_numbers<[1], [0], [0], [1], [0, 0, 1, 1], [], []>, transpose_lhs_hint = false} : vector<256x256xbf16>, vector<256x768xbf16>, vector<256x768xf32> -> vector<256x768xf32>
      %slice3A = vector.extract_strided_slice %dot_general3A_28 {offsets = [0, 0], sizes = [256, 384], strides = [1, 1]} : vector<256x768xf32> to vector<256x384xf32>
      %bitcast_convert_type3A_29 = tpu.bitcast %slice3A : vector<256x384xf32> -> vector<256x384xi32>
      %slice3A_30 = vector.extract_strided_slice %dot_general3A_28 {offsets = [0, 384], sizes = [256, 384], strides = [1, 1]} : vector<256x768xf32> to vector<256x384xf32>
      %bitcast_convert_type3A_31 = tpu.bitcast %slice3A_30 : vector<256x384xf32> -> vector<256x384xi32>
      %add3A = arith.constant 32768 : i32
      %add3A_32 = vector.broadcast %add3A : i32 to vector<256x384xi32>
      %add3A_33 = arith.addi %bitcast_convert_type3A_29, %add3A_32 : vector<256x384xi32>
      %and3A_34 = arith.constant -65536 : i32
      %and3A_35 = vector.broadcast %and3A_34 : i32 to vector<256x384xi32>
      %and3A_36 = arith.andi %add3A_33, %and3A_35 : vector<256x384xi32>
      %add3A_37 = arith.constant 32768 : i32
      %add3A_38 = vector.broadcast %add3A_37 : i32 to vector<256x384xi32>
      %add3A_39 = arith.addi %bitcast_convert_type3A_31, %add3A_38 : vector<256x384xi32>
      %shift_right_logical3A = arith.constant 16 : i32
      %shift_right_logical3A_40 = vector.broadcast %shift_right_logical3A : i32 to vector<256x384xi32>
      %shift_right_logical3A_41 = arith.shrui %add3A_39, %shift_right_logical3A_40 : vector<256x384xi32>
      %or3A = arith.ori %and3A_36, %shift_right_logical3A_41 : vector<256x384xi32>
      %swap3A = arith.constant 0 : index
      %swap3A_42 = arith.constant 0 : index
      %swap3A_43 = vector.load %arg6[%swap3A, %swap3A_42] : memref<256x384xi32, #tpu.memory_space<vmem>>, vector<256x384xi32>
      tpu.vector_store %arg6[%swap3A, %swap3A_42], %or3A {strides = array<i32>} : memref<256x384xi32, #tpu.memory_space<vmem>>, vector<256x384xi32>,
    } else {
    }
    return
  }
  func.func @transform_0(%arg0: i32, %arg1: memref<80xi32, #tpu.memory_space<smem>>, %arg2: memref<1xi32, #tpu.memory_space<smem>>) -> (i32, i32) {
    %get3A = arith.constant 0 : index
    %get3A_0 = memref.load %arg2[%get3A] : memref<1xi32, #tpu.memory_space<smem>>
    %sub3A = arith.constant 1 : i32
    %sub3A_1 = arith.subi %get3A_0, %sub3A : i32
    %min3A = arith.minsi %arg0, %sub3A_1 : i32
    %c0_i32 = arith.constant 0 : i32
    %c0_i32_2 = arith.constant 0 : i32
    return %min3A, %c0_i32 : i32, i32
  }
  func.func @transform_1(%arg0: i32, %arg1: memref<80xi32, #tpu.memory_space<smem>>, %arg2: memref<1xi32, #tpu.memory_space<smem>>) -> (i32, i32, i32) {
    %get3A = arith.constant 0 : index
    %get3A_0 = memref.load %arg2[%get3A] : memref<1xi32, #tpu.memory_space<smem>>
    %sub3A = arith.constant 1 : i32
    %sub3A_1 = arith.subi %get3A_0, %sub3A : i32
    %min3A = arith.minsi %arg0, %sub3A_1 : i32
    %get3A_2 = arith.index_cast %min3A : i32 to index
    %get3A_3 = memref.load %arg1[%get3A_2] : memref<80xi32, #tpu.memory_space<smem>>
    %c0_i32 = arith.constant 0 : i32
    %c0_i32_4 = arith.constant 0 : i32
    %c0_i32_5 = arith.constant 0 : i32
    return %get3A_3, %c0_i32, %c0_i32_4 : i32, i32, i32
  }
  func.func @transform_2(%arg0: i32, %arg1: memref<80xi32, #tpu.memory_space<smem>>, %arg2: memref<1xi32, #tpu.memory_space<smem>>) -> (i32, i32, i32) {
    %get3A = arith.constant 0 : index
    %get3A_0 = memref.load %arg2[%get3A] : memref<1xi32, #tpu.memory_space<smem>>
    %sub3A = arith.constant 1 : i32
    %sub3A_1 = arith.subi %get3A_0, %sub3A : i32
    %min3A = arith.minsi %arg0, %sub3A_1 : i32
    %get3A_2 = arith.index_cast %min3A : i32 to index
    %get3A_3 = memref.load %arg1[%get3A_2] : memref<80xi32, #tpu.memory_space<smem>>
    %c0_i32 = arith.constant 0 : i32
    %c0_i32_4 = arith.constant 0 : i32
    %c0_i32_5 = arith.constant 0 : i32
    return %get3A_3, %c0_i32, %c0_i32_4 : i32, i32, i32
  }
  func.func @transform_3(%arg0: i32, %arg1: memref<80xi32, #tpu.memory_space<smem>>, %arg2: memref<1xi32, #tpu.memory_space<smem>>) -> (i32, i32) {
    %get3A = arith.constant 0 : index
    %get3A_0 = memref.load %arg2[%get3A] : memref<1xi32, #tpu.memory_space<smem>>
    %sub3A = arith.constant 1 : i32
    %sub3A_1 = arith.subi %get3A_0, %sub3A : i32
    %min3A = arith.minsi %arg0, %sub3A_1 : i32
    %c0_i32 = arith.constant 0 : i32
    %c0_i32_2 = arith.constant 0 : i32
    return %min3A, %c0_i32 : i32, i32
  }
}

module attributes {stable_mosaic.version = 14 : i64} {
  func.func @_combine_shared_body(%arg0: i32, %arg1: memref<256x384xi32, #tpu.memory_space<vmem>>, %arg2: memref<768x512xf32, #tpu.memory_space<vmem>>, %arg3: memref<512x768xf32, #tpu.memory_space<vmem>>, %arg4: memref<256x384xi32, #tpu.memory_space<vmem>>, %arg5: memref<256x384xi32, #tpu.memory_space<vmem>>, %arg6: memref<256x128xf32, #tpu.memory_space<vmem>>, %arg7: memref<256x768xf32, #tpu.memory_space<vmem>>) attributes {dimension_semantics = [#tpu.dimension_semantics<arbitrary>], iteration_bounds = array<i64: 8>, scalar_prefetch = 0 : i64, scratch_operands = 0 : i64, tpu.core_type = #tpu.core_type<tc>, window_params = [{transform_indices = @transform_0, window_bounds = array<i64: 256, 384>}, {pipeline_mode = #tpu.pipeline_mode<synchronous>, transform_indices = @transform_1, window_bounds = array<i64: 768, 512>}, {pipeline_mode = #tpu.pipeline_mode<synchronous>, transform_indices = @transform_2, window_bounds = array<i64: 512, 768>}, {transform_indices = @transform_3, window_bounds = array<i64: 256, 384>}, {transform_indices = @transform_4, window_bounds = array<i64: 256, 384>}, {transform_indices = @transform_5, window_bounds = array<i64: 256, 128>}, {transform_indices = @transform_6, window_bounds = array<i64: 256, 768>}]} {
    %get3A = arith.constant 0 : index
    %get3A_0 = arith.constant 0 : index
    %get3A_1 = vector.load %arg1[%get3A, %get3A_0] : memref<256x384xi32, #tpu.memory_space<vmem>>, vector<256x384xi32>
    %and3A = arith.constant -65536 : i32
    %and3A_2 = vector.broadcast %and3A : i32 to vector<256x384xi32>
    %and3A_3 = arith.andi %get3A_1, %and3A_2 : vector<256x384xi32>
    %bitcast_convert_type3A = tpu.bitcast %and3A_3 : vector<256x384xi32> -> vector<256x384xf32>
    %shift_left3A = arith.constant 16 : i32
    %shift_left3A_4 = vector.broadcast %shift_left3A : i32 to vector<256x384xi32>
    %shift_left3A_5 = arith.shli %get3A_1, %shift_left3A_4 : vector<256x384xi32>
    %bitcast_convert_type3A_6 = tpu.bitcast %shift_left3A_5 : vector<256x384xi32> -> vector<256x384xf32>
    %concatenate3A = tpu.concatenate %bitcast_convert_type3A, %bitcast_convert_type3A_6 in 1 : vector<256x384xf32>, vector<256x384xf32> -> vector<256x768xf32>
    %convert_element_type3A = arith.truncf %concatenate3A : vector<256x768xf32> to vector<256x768xbf16>
    %get3A_7 = arith.constant 0 : index
    %get3A_8 = arith.constant 0 : index
    %get3A_9 = vector.load %arg2[%get3A_7, %get3A_8] : memref<768x512xf32, #tpu.memory_space<vmem>>, vector<768x512xf32>
    %convert_element_type3A_10 = arith.truncf %get3A_9 : vector<768x512xf32> to vector<768x512xbf16>
    %dot_general3A = arith.constant dense<0.000000e+00> : vector<256x512xf32>
    %dot_general3A_11 = tpu.matmul %convert_element_type3A, %convert_element_type3A_10, %dot_general3A {dimension_numbers = #tpu.dot_dimension_numbers<[1], [0], [0], [1], [0, 0, 1, 1], [], []>, transpose_lhs_hint = false} : vector<256x768xbf16>, vector<768x512xbf16>, vector<256x512xf32> -> vector<256x512xf32>
    %max3A = arith.constant 0.000000e+00 : f32
    %max3A_12 = vector.broadcast %max3A : f32 to vector<256x512xf32>
    %max3A_13 = arith.maximumf %dot_general3A_11, %max3A_12 : vector<256x512xf32>
    %square3A = arith.mulf %max3A_13, %max3A_13 : vector<256x512xf32>
    %convert_element_type3A_14 = arith.truncf %square3A : vector<256x512xf32> to vector<256x512xbf16>
    %get3A_15 = arith.constant 0 : index
    %get3A_16 = arith.constant 0 : index
    %get3A_17 = vector.load %arg3[%get3A_15, %get3A_16] : memref<512x768xf32, #tpu.memory_space<vmem>>, vector<512x768xf32>
    %convert_element_type3A_18 = arith.truncf %get3A_17 : vector<512x768xf32> to vector<512x768xbf16>
    %dot_general3A_19 = arith.constant dense<0.000000e+00> : vector<256x768xf32>
    %dot_general3A_20 = tpu.matmul %convert_element_type3A_14, %convert_element_type3A_18, %dot_general3A_19 {dimension_numbers = #tpu.dot_dimension_numbers<[1], [0], [0], [1], [0, 0, 1, 1], [], []>, transpose_lhs_hint = false} : vector<256x512xbf16>, vector<512x768xbf16>, vector<256x768xf32> -> vector<256x768xf32>
    %get3A_21 = arith.constant 0 : index
    %get3A_22 = arith.constant 0 : index
    %get3A_23 = vector.load %arg6[%get3A_21, %get3A_22] : memref<256x128xf32, #tpu.memory_space<vmem>>, vector<256x128xf32>
    %slice3A = vector.extract_strided_slice %get3A_23 {offsets = [0, 0], sizes = [256, 1], strides = [1, 1]} : vector<256x128xf32> to vector<256x1xf32>
    %slice3A_24 = vector.extract_strided_slice %get3A_23 {offsets = [0, 16], sizes = [256, 1], strides = [1, 1]} : vector<256x128xf32> to vector<256x1xf32>
    %get3A_25 = arith.constant 0 : index
    %get3A_26 = arith.constant 0 : index
    %get3A_27 = vector.load %arg4[%get3A_25, %get3A_26] : memref<256x384xi32, #tpu.memory_space<vmem>>, vector<256x384xi32>
    %and3A_28 = arith.constant -65536 : i32
    %and3A_29 = vector.broadcast %and3A_28 : i32 to vector<256x384xi32>
    %and3A_30 = arith.andi %get3A_27, %and3A_29 : vector<256x384xi32>
    %bitcast_convert_type3A_31 = tpu.bitcast %and3A_30 : vector<256x384xi32> -> vector<256x384xf32>
    %shift_left3A_32 = arith.constant 16 : i32
    %shift_left3A_33 = vector.broadcast %shift_left3A_32 : i32 to vector<256x384xi32>
    %shift_left3A_34 = arith.shli %get3A_27, %shift_left3A_33 : vector<256x384xi32>
    %bitcast_convert_type3A_35 = tpu.bitcast %shift_left3A_34 : vector<256x384xi32> -> vector<256x384xf32>
    %concatenate3A_36 = tpu.concatenate %bitcast_convert_type3A_31, %bitcast_convert_type3A_35 in 1 : vector<256x384xf32>, vector<256x384xf32> -> vector<256x768xf32>
    %get3A_37 = arith.constant 0 : index
    %get3A_38 = arith.constant 0 : index
    %get3A_39 = vector.load %arg5[%get3A_37, %get3A_38] : memref<256x384xi32, #tpu.memory_space<vmem>>, vector<256x384xi32>
    %and3A_40 = arith.constant -65536 : i32
    %and3A_41 = vector.broadcast %and3A_40 : i32 to vector<256x384xi32>
    %and3A_42 = arith.andi %get3A_39, %and3A_41 : vector<256x384xi32>
    %bitcast_convert_type3A_43 = tpu.bitcast %and3A_42 : vector<256x384xi32> -> vector<256x384xf32>
    %shift_left3A_44 = arith.constant 16 : i32
    %shift_left3A_45 = vector.broadcast %shift_left3A_44 : i32 to vector<256x384xi32>
    %shift_left3A_46 = arith.shli %get3A_39, %shift_left3A_45 : vector<256x384xi32>
    %bitcast_convert_type3A_47 = tpu.bitcast %shift_left3A_46 : vector<256x384xi32> -> vector<256x384xf32>
    %concatenate3A_48 = tpu.concatenate %bitcast_convert_type3A_43, %bitcast_convert_type3A_47 in 1 : vector<256x384xf32>, vector<256x384xf32> -> vector<256x768xf32>
    %mul3A = vector.broadcast %slice3A : vector<256x1xf32> to vector<256x768xf32>
    %mul3A_49 = arith.mulf %mul3A, %concatenate3A_36 : vector<256x768xf32>
    %add3A = arith.addf %dot_general3A_20, %mul3A_49 : vector<256x768xf32>
    %mul3A_50 = vector.broadcast %slice3A_24 : vector<256x1xf32> to vector<256x768xf32>
    %mul3A_51 = arith.mulf %mul3A_50, %concatenate3A_48 : vector<256x768xf32>
    %add3A_52 = arith.addf %add3A, %mul3A_51 : vector<256x768xf32>
    %swap3A = arith.constant 0 : index
    %swap3A_53 = arith.constant 0 : index
    %swap3A_54 = vector.load %arg7[%swap3A, %swap3A_53] : memref<256x768xf32, #tpu.memory_space<vmem>>, vector<256x768xf32>
    tpu.vector_store %arg7[%swap3A, %swap3A_53], %add3A_52 {strides = array<i32>} : memref<256x768xf32, #tpu.memory_space<vmem>>, vector<256x768xf32>,
    return
  }
  func.func @transform_0(%arg0: i32) -> (i32, i32) {
    %c0_i32 = arith.constant 0 : i32
    %c0_i32_0 = arith.constant 0 : i32
    return %arg0, %c0_i32 : i32, i32
  }
  func.func @transform_1(%arg0: i32) -> (i32, i32) {
    %c0_i32 = arith.constant 0 : i32
    %c0_i32_0 = arith.constant 0 : i32
    %c0_i32_1 = arith.constant 0 : i32
    return %c0_i32, %c0_i32_0 : i32, i32
  }
  func.func @transform_2(%arg0: i32) -> (i32, i32) {
    %c0_i32 = arith.constant 0 : i32
    %c0_i32_0 = arith.constant 0 : i32
    %c0_i32_1 = arith.constant 0 : i32
    return %c0_i32, %c0_i32_0 : i32, i32
  }
  func.func @transform_3(%arg0: i32) -> (i32, i32) {
    %c0_i32 = arith.constant 0 : i32
    %c0_i32_0 = arith.constant 0 : i32
    return %arg0, %c0_i32 : i32, i32
  }
  func.func @transform_4(%arg0: i32) -> (i32, i32) {
    %c0_i32 = arith.constant 0 : i32
    %c0_i32_0 = arith.constant 0 : i32
    return %arg0, %c0_i32 : i32, i32
  }
  func.func @transform_5(%arg0: i32) -> (i32, i32) {
    %c0_i32 = arith.constant 0 : i32
    %c0_i32_0 = arith.constant 0 : i32
    return %arg0, %c0_i32 : i32, i32
  }
  func.func @transform_6(%arg0: i32) -> (i32, i32) {
    %c0_i32 = arith.constant 0 : i32
    %c0_i32_0 = arith.constant 0 : i32
    return %arg0, %c0_i32 : i32, i32
  }
}

</mosaic_0001>

<sc_bundles>
// kernel: kernel.10.cloned.1.call-start
scs
__scs_entry_jumppad:
0x0: {  	(pc) =	sbr.rel $0x88, $3  }
0x1: {  	(tag) =	ssettag $0x0;
	lr =	simm.s32 $0x1  }
0x2: {  	[smem:$0x3F9A] =	sst lr;
	_ =	strace $0xD0000000  }
0x3: {  	_ = 	snop  }
0x4: {  	_ = 	snop  }
0x5: {  	_ = 	snop  }
0x6: {  	_ = 	snop  }
0x7: {  	_ = 	snop  }
__scs_overlays_trampoline_lowered:
0x8: {  	[smem:$0x3FA9] =	sst s0  }
0x9: {  	[smem:$0x3FAA] =	sst s1  }
0xa: {  	[smem:$0x3FAB] =	sst s2  }
0xb: {  	[smem:$0x3FAC] =	sst s3  }
0xc: {  	[smem:$0x3FAD] =	sst s4  }
0xd: {  	[smem:$0x3FAE] =	sst s5  }
0xe: {  	[smem:$0x3FAF] =	sst s6  }
0xf: {  	[smem:$0x3FB0] =	sst s7  }
0x10: {  	[smem:$0x3FB1] =	sst s8  }
0x11: {  	[smem:$0x3FB2] =	sst s9;
	s0 =	simm.s32 @!p0 $0x0  }
0x12: {  	s1 =	sld [smem:$0x3F98];
	s0 =	simm.s32 @p0 $0x1  }
0x13: {  	[smem:$0x3FB3] =	sst s0;
	s0 =	simm.s32 @!p1 $0x0  }
0x14: {  	s2 =	sld [smem:$0x3F97];
	s0 =	simm.s32 @p1 $0x1  }
0x15: {  	[smem:$0x3FB4] =	sst s0;
	s0 =	simm.s32 @!p2 $0x0  }
0x16: {  	s3 =	sld [smem:$0x3FDB];
	s0 =	simm.s32 @p2 $0x1  }
0x17: {  	s4 =	simm.s32 $0x1BF5;
	[smem:$0x3FB6] =	sst s0  }
0x18: {  	s0 =	sld [smem:$0x3F99];
	_ =	swait.ge [sflag:s4], $0x0  }
0x19: {  	s7 =	sld [smem:$0x3F9A]  }
0x1a: {  	s8 =	sadd.s32 $0xFFFFE003, lr  }
0x1b: {  	s9 =	sadd.s32 $0xFFFFFEF7, lr;
	s5 =	simm.s32 $0xFFFFFFFF;
	p2 =	slt.u32 s8, $0xFFFFF086  }
0x1c: {  	p1 =	slt.u32 s9, $0xF7A;
	s5 =	simm.s32 @!p2 $0x0  }
0x1d: {  	s5 =	simm.s32 @p1 $0x1;
	p0 =	seq.s32 s7, s2  }
0x1e: {  	s7 =	smul.u32 @!p0 $0xF7A, s2;
	p2 =	seq.s32 @!p0 s5, $0x0  }
0x1f: {  	s9 =	smul.u32 $0xF7A, s1;
	s8 =	simm.s32 @!p0 $0x1BF5;
	p2 =	por !p2, p0  }
0x20: {  	[sflag:s8] =	ssyncset.s32 @!p0 $0xFFFFF086;
	s6 =	sadd.s32 @!p0 s3, s7;
	s7 =	simm.s32 @!p0 $0x108  }
0x21: {  	s3 =	sadd.s32 s3, s9;
	s6 =	sadd.s32 @!p0 $0x88, s6;
	s7 =	simm.s32 @p2 $0x1082  }
0x22: {  	[simem:s7], [sflag:s8] =	dma.local @!p0 [hbm:s6], $0xF7A  }
0x23: {  	s9 =	sor.u32 $0xD0000000, s2;
	s6 =	simm.s32 $0x108;
	_ =	swait.ge @!p0 [sflag:s8], $0x0  }
0x24: {  	s3 =	sadd.s32 $0x88, s3;
	s6 =	simm.s32 @!p1 $0x1082;
	[sflag:s4] =	ssyncset.s32 $0xFFFFF086  }
0x25: {  	[simem:s6], [sflag:s4] =	dma.local [hbm:s3], $0xF7A  }
0x26: {  	[smem:$0x3F9A] =	sst s1;
	(tag) =	ssettag s2;
	_ =	strace s9  }
0x27: {  	s1 =	sld [smem:$0x3FAA]  }
0x28: {  	s2 =	sld [smem:$0x3FAB]  }
0x29: {  	s4 =	sld [smem:$0x3FAD]  }
0x2a: {  	p0 =	seq.s32 s5, $0x0;
	s5 =	sld [smem:$0x3FAE]  }
0x2b: {  	s6 =	sld [smem:$0x3FAF]  }
0x2c: {  	s7 =	sld [smem:$0x3FB0]  }
0x2d: {  	s3 =	simm.s32 $0x108;
	s8 =	sld [smem:$0x3FB1]  }
0x2e: {  	s3 =	simm.s32 @!p0 $0x1082;
	s9 =	sld [smem:$0x3FB2]  }
0x2f: {  	lr =	sadd.s32 s0, s3;
	s0 =	sld [smem:$0x3FA9]  }
0x30: {  	s3 =	sld [smem:$0x3FAC]  }
0x31: {  	[smem:$0x3FB5] =	sst s10  }
0x32: {  	s10 =	sld [smem:$0x3FB3];
	_ =	sdelay $0x3  }
0x33: {  	p0 =	seq.s32 s10, $0x1;
	s10 =	sld [smem:$0x3FB5];
	_ =	sdelay $0x3  }
0x34: {  	[smem:$0x3FB5] =	sst s10  }
0x35: {  	s10 =	sld [smem:$0x3FB4];
	_ =	sdelay $0x3  }
0x36: {  	p1 =	seq.s32 s10, $0x1;
	s10 =	sld [smem:$0x3FB5];
	_ =	sdelay $0x3  }
0x37: {  	[smem:$0x3FB5] =	sst s10  }
0x38: {  	s10 =	sld [smem:$0x3FB6]  }
0x39: {  	_ = 	snop;
	(pc) =	sbr.ind lr, $3  }
0x3a: {  	_ = 	snop  }
0x3b: {  	_ = 	snop  }
0x3c: {  	p2 =	seq.s32 s10, $0x1;
	s10 =	sld [smem:$0x3FB5]  }
0x3d: {  	_ =	shalt  }
0x3e: {  	_ =	shalt  }
0x3f: {  	_ =	shalt  }
0x40: {  	_ =	shalt  }
0x41: {  	_ =	shalt  }
0x42: {  	_ =	shalt  }
0x43: {  	_ =	shalt  }
0x44: {  	_ =	shalt  }
0x45: {  	_ =	shalt  }
0x46: {  	_ =	shalt  }
0x47: {  	_ =	shalt  }
0x48: {  	_ =	shalt  }
0x49: {  	_ =	shalt  }
0x4a: {  	_ =	shalt  }
0x4b: {  	_ =	shalt  }
0x4c: {  	_ =	shalt  }
0x4d: {  	_ =	shalt  }
0x4e: {  	_ =	shalt  }
0x4f: {  	_ =	shalt  }
0x50: {  	_ =	shalt  }
0x51: {  	_ =	shalt  }
0x52: {  	_ =	shalt  }
0x53: {  	_ =	shalt  }
0x54: {  	_ =	shalt  }
0x55: {  	_ =	shalt  }
0x56: {  	_ =	shalt  }
0x57: {  	_ =	shalt  }
0x58: {  	_ =	shalt  }
0x59: {  	_ =	shalt  }
0x5a: {  	_ =	shalt  }
0x5b: {  	_ =	shalt  }
0x5c: {  	_ =	shalt  }
0x5d: {  	_ =	shalt  }
0x5e: {  	_ =	shalt  }
0x5f: {  	_ =	shalt  }
0x60: {  	_ =	shalt  }
0x61: {  	_ =	shalt  }
0x62: {  	_ =	shalt  }
0x63: {  	_ =	shalt  }
0x64: {  	_ =	shalt  }
0x65: {  	_ =	shalt  }
0x66: {  	_ =	shalt  }
0x67: {  	_ =	shalt  }
0x68: {  	_ =	shalt  }
0x69: {  	_ =	shalt  }
0x6a: {  	_ =	shalt  }
0x6b: {  	_ =	shalt  }
0x6c: {  	_ =	shalt  }
0x6d: {  	_ =	shalt  }
0x6e: {  	_ =	shalt  }
0x6f: {  	_ =	shalt  }
0x70: {  	_ =	shalt  }
0x71: {  	_ =	shalt  }
0x72: {  	_ =	shalt  }
0x73: {  	_ =	shalt  }
0x74: {  	_ =	shalt  }
0x75: {  	_ =	shalt  }
0x76: {  	_ =	shalt  }
0x77: {  	_ =	shalt  }
0x78: {  	_ =	shalt  }
0x79: {  	_ =	shalt  }
0x7a: {  	_ =	shalt  }
0x7b: {  	_ =	shalt  }
0x7c: {  	_ =	shalt  }
0x7d: {  	_ =	shalt  }
0x7e: {  	_ =	shalt  }
0x7f: {  	_ =	shalt  }
0x80: {  	_ =	shalt  }
0x81: {  	_ =	shalt  }
0x82: {  	_ =	shalt  }
0x83: {  	_ =	shalt  }
0x84: {  	_ =	shalt  }
0x85: {  	_ =	shalt  }
0x86: {  	_ =	shalt  }
0x87: {  	_ =	shalt  }
.Lfunc_end0:
.L_simem_size_0:
called_computation.1_lowered:
.L_overlay_start_0:
0x88: {  	s2 =	sld [smem:$0x3FD9]  }
0x89: {  	s3 =	sld [smem:$0x3FFE];
	_ =	sdelay $0x1  }
0x8a: {  	s1 =	srdreg.scid  }
0x8b: {  	s0 =	sand.u32 $0x1, s1  }
0x8c: {  	s16 =	sshll.u32 s0, $0xA;
	s2 =	sadd.s32 s3, s2  }
0x8d: {  	s2 =	sadd.s32 s2, s16  }
0x8e: {  	[smem:$0x3FC1] =	sst s2  }
0x8f: {  	_ = 	snop  }
0x90: {  	(tm) =	ssettm $0x1  }
0x91: {  	s17 =	sld [smem:$0x3FFB];
	_ =	sdelay $0x3  }
0x92: {  	_ =	strace s17  }
0x93: {  	s2 =	sld [smem:$0x3FFC];
	_ =	sdelay $0x3  }
0x94: {  	_ =	strace s2  }
0x95: {  	s2 =	sld [smem:$0x3FFD];
	_ =	sdelay $0x3  }
0x96: {  	_ =	strace s2  }
0x97: {  	_ =	strace $0x8FFFFFFF  }
0x98: {  	s18 =	sld [smem:$0x3FDB];
	_ =	sdelay $0x1  }
0x99: {  	s19 =	simm.s32 $_scs_section_size  }
0x9a: {  	s4 =	simm.s32 $_size__tile_overlayer_lowered;
	s5 =	simm.s32 $_tile_overlayer_lowered  }
0x9b: {  	s22 =	simm.s32 $0x1BFF;
	s21 =	sshll.u32 s5, $0x1;
	s2 =	sadd.s32 s19, s18  }
0x9c: {  	s6 =	simm.s32 $0x0;
	s20 =	sshll.u32 s4, $0x1;
	s4 =	sadd.s32 s21, s2  }
0x9d: {  	[timem:s6], [sflag:s22] =	dma.local [hbm:s4], s20  }
0x9e: {  	_ =	swait.ge [sflag:s22], s20  }
0x9f: {  	s3 =	ssub.s32 $0x0, s20;
	[sflag:s22] =	ssyncset.done $0x0  }
0xa0: {  	[sflag:s22] =	ssyncadd.s32 s3;
	_ =	sdelay $0x1  }
0xa1: {  	s23 =	simm.s32 $0x1B8B  }
0xa2: {  	_ =	swait.ge [sflag:s23], $0x1  }
0xa3: {  	[sflag:s23] =	ssyncset.done $0x0  }
0xa4: {  	s25 =	simm.s32 $0x1B8E;
	s24 =	sld [smem:$0x3FFE];
	[sflag:s23] =	ssyncadd.s32 $0xFFFFFFFF  }
0xa5: {  	s26 =	simm.s32 $execute0_lowered;
	[smem:$0x3FD2] =	sst s25  }
0xa6: {  	s4 =	sshll.u32 s26, $0x1;
	_ =	strace $0x80000049;
	[dreg:$0x1] =	wrdreg $0xFFFFFFFF  }
0xa7: {  	s28 =	simm.s32 $_size_execute0_lowered;
	s2 =	sadd.s32 s2, s4;
	[dreg:$0x0] =	wrdreg $0x0  }
0xa8: {  	s4 =	sshll.u32 s28, $0x1;
	[dreg:$0x2] =	wrdreg s2  }
0xa9: {  	[dreg:$0x3] =	wrdreg s4  }
0xaa: {  	[dreg:$0x4] =	wrdreg $0xC0  }
0xab: {  	_ =	task [dreg:s6], $0x5FFFF  }
0xac: {  	[dreg:$0x1] =	wrdreg $0xFFFFFFFF  }
0xad: {  	[dreg:$0x0] =	wrdreg $0x60  }
0xae: {  	[dreg:$0x2] =	wrdreg s24  }
0xaf: {  	[dreg:$0x3] =	wrdreg $0x9  }
0xb0: {  	_ =	task.clear_ibuf [dreg:s6], $0x4FFFF;
	_ =	strace $0x90000049  }
0xb1: {  	s29 =	simm.s32 $0x9;
	_ =	strace $0x8000004B  }
0xb2: {  	_ =	swait.ge [sflag:s29], $0x1  }
0xb3: {  	[sflag:s29] =	ssyncadd.s32 $0xFFFFFFFF  }
0xb4: {  	_ =	strace $0x9000004B  }
0xb5: {  	_ =	sfence  }
0xb6: {  	s30 =	sld [smem:$0x0];
	_ =	sdelay $0x2  }
0xb7: {  	s31 =	sshll.u32 s1, $0xD;
	s1 =	sshrl.u32 s1, $0x2  }
0xb8: {  	s3 =	sand.u32 $0x4000, s31;
	s1 =	sadd.s32 s1, s30  }
0xb9: {  	s0 =	sor.u32 s3, s0;
	s1 =	sshll.u32 s1, $0x11  }
0xba: {  	s0 =	sor.u32 s1, s0  }
0xbb: {  	s0 =	sadd.s32 $0x8F2B, s0  }
0xbc: {  	[sflag:s0] =	ssyncadd.remote.s32 $0x1  }
0xbd: {  	_ =	sfence.sel $0xFFFF  }
0xbe: {  	[dreg:$0x0] =	wrdreg $0xFFFFFFFF;
	(pc) =	sbr.abs _section_cstart, $3  }
0xbf: {  	[dreg:$0x1] =	wrdreg $0xFFFFFFFF  }
0xc0: {  	_ =	task.clear_ibuf [dreg:s6], $0x2FFFF;
	_ =	strace $0x9FFFFFFF  }
0xc1: {  	(tm) =	ssettm $0x7FFFFFFF  }
tec
execute0_lowered:
.L_overlay_start_1:
0x0: {  	(tag) =	ssettag $0x1  }
0x1: {  	s1 =	srdreg.scid  }
0x2: {  	s0 =	stileid.u32;
	s4 =	rddreg [dreg:$0x0];
	s2 =	simm.s32 $0x0  }
0x3: {  	s17 =	simm.s32 $0xC000;
	s18 =	simm.s32 $0xC080;
	s19 =	simm.s32 $0x800  }
0x4: {  	s20 =	simm.s32 $0xC00;
	s21 =	simm.s32 $0x1400;
	s23 =	simm.s32 $0x1800  }
0x5: {  	s24 =	simm.s32 $0x2000;
	s25 =	simm.s32 $0x2400;
	[smem:$0x7FF] =	sst s2  }
0x6: {  	s26 =	simm.s32 $0x2C00;
	_ =	strace $0x8000004A;
	[dreg:$0x6] =	wrdreg s17  }
0x7: {  	s8 =	simm.s32 $0x3800;
	s9 =	simm.s32 $0x3C00;
	[dreg:$0x7] =	wrdreg s18  }
0x8: {  	s10 =	simm.s32 $0x4400;
	s11 =	simm.s32 $0x4800;
	[dreg:$0x8] =	wrdreg s19  }
0x9: {  	s12 =	simm.s32 $0x5000;
	s13 =	simm.s32 $0x5400;
	[dreg:$0x9] =	wrdreg s20  }
0xa: {  	s14 =	simm.s32 $0x5C00;
	s15 =	simm.s32 $0x6000;
	[dreg:$0xa] =	wrdreg s21  }
0xb: {  	s28 =	simm.s32 $0xA800;
	s29 =	simm.s32 $0xB000;
	[dreg:$0xb] =	wrdreg s23  }
0xc: {  	s30 =	simm.s32 $0xB400;
	s31 =	simm.s32 $0xBC00;
	[dreg:$0xc] =	wrdreg s24  }
0xd: {  	s1 =	sand.u32 $0x1, s1;
	s3 =	sshll.u32 s0, $0x4;
	[dreg:$0xd] =	wrdreg s25  }
0xe: {  	s5 =	sshll.u32 s1, $0x3;
	s1 =	ssub.s32 $0x2, s1;
	[dreg:$0xe] =	wrdreg s26  }
0xf: {  	s17 =	simm.s32 $0x6C00;
	s18 =	simm.s32 $0x7400;
	s19 =	simm.s32 $0x7800  }
0x10: {  	s20 =	simm.s32 $0x8000;
	s21 =	simm.s32 $0x8400;
	s23 =	simm.s32 $0x9000  }
0x11: {  	s24 =	simm.s32 $0x9800;
	s25 =	simm.s32 $0x9C00;
	s3 =	sor.u32 s5, s3  }
0x12: {  	s22 =	sshrl.u32 s1, $0x1;
	s5 =	sadd.s32 s3, s4;
	s3 =	smul.u32 $0x180, s3  }
0x13: {  	s26 =	simm.s32 $0xA400;
	s1 =	ssub.s32 s1, s22;
	s6 =	sadd.s32 $0x1400, s5  }
0x14: {  	s5 =	sadd.s32 $0x1200, s5;
	s3 =	sadd.s32 s3, s4;
	[dreg:$0x2] =	wrdreg s6  }
0x15: {  	s22 =	simm.s32 $0x8C00;
	[dreg:$0x3] =	wrdreg s5;
	s16 =	sadd.s32 $0x1600, s3  }
0x16: {  	v2 =	vlaneseq.u32;
	s5 =	smax.u32 s1, $0x1;
	s3 =	sadd.s32 $0x19600, s3;
	[dreg:$0x4] =	wrdreg s16  }
0x17: {  	vm0 =	vmmov $0xffff;
	vm1 =	vmmov $0xff;
	v1 =	vshrl.u32 v2, $0x3;
	s6 =	simm.s32 $0x2;
	s1 =	simm.s32 $0x1;
	[dreg:$0x5] =	wrdreg s3  }
0x18: {  	v0 =	vand.u32 $0x7, v2;
	v2 =	vor.u32 $0x8, v2;
	v1 =	vmul.u32 $0x8, v1;
	s3 =	sadd.s32 $0xF1800, s4;
	s4 =	sadd.s32 $0xF1900, s4;
	s16 =	simm.s32 $0x6800  }
.LBB2_1:
0x19: {  	s0 =	rddreg [dreg:$0x2]  }
0x1a: {  	s7 =	rddreg [dreg:$0x6]  }
0x1b: {  	[tilespmem:s7], [sflag:$0x2] =	stream.linear.gather [hbm4b:s0+s2], $0x40, $0x38;
	[tilespmem:$0xC100] =	vst v63  }
0x1c: {  	_ =	swait.ge [sflag:s6], $0x40  }
0x1d: {  	s0 =	rddreg [dreg:$0x3];
	[sflag:s6] =	ssyncset.done $0x0  }
0x1e: {  	s7 =	rddreg [dreg:$0x7];
	[sflag:s6] =	ssyncadd.s32 $0xFFFFFFC0  }
0x1f: {  	[tilespmem:s7], [sflag:$0x2] =	stream.linear.gather [hbm4b:s0+s2], $0x40, $0x38;
	[tilespmem:$0xC100] =	vst v63  }
0x20: {  	_ =	swait.ge [sflag:s6], $0x40  }
0x21: {  	[sflag:s6] =	ssyncset.done $0x0  }
0x22: {  	[sflag:s6] =	ssyncadd.s32 $0xFFFFFFC0  }
0x23: {  	v3 =	vld [tilespmem:$0xC000];
	_ =	sdelay $0x4  }
0x24: {  	v4 =	vshrl.u32 v3, $0x3  }
0x25: {  	v4 =	vmul.u32 $0x18, v4  }
0x26: {  	v3 =	vand.u32 $0x7, v3  }
0x27: {  	v3 =	vor.u32 v3, v4  }
0x28: {  	v4 =	vperm.xlane v3, v0;
	_ =	sdelay $0x1  }
0x29: {  	v4 =	vadd.s32 v1, v4;
	_ =	sdelay $0x1  }
0x2a: {  	v3 =	vperm.xlane v3, v2;
	_ =	sdelay $0x1  }
0x2b: {  	v3 =	vadd.s32 v1, v3  }
0x2c: {  	[tilespmem:s2], [sflag:$0x1] =	stream.indirect_vreg.gather [hbm4b:s3+s2], $0x80, v4, vm0, $0xb8;
	[tilespmem:$0xC100] =	vst v63  }
0x2d: {  	s0 =	rddreg [dreg:$0x8]  }
0x2e: {  	[tilespmem:s0], [sflag:$0x1] =	stream.indirect_vreg.gather [hbm4b:s4+s2], $0x80, v4, vm1, $0xb8;
	[tilespmem:$0xC100] =	vst v63  }
0x2f: {  	s7 =	rddreg [dreg:$0x9]  }
0x30: {  	[tilespmem:s7], [sflag:$0x1] =	stream.indirect_vreg.gather [hbm4b:s3+s2], $0x80, v3, vm0, $0xb8;
	[tilespmem:$0xC100] =	vst v63  }
0x31: {  	s0 =	rddreg [dreg:$0xa]  }
0x32: {  	[tilespmem:s0], [sflag:$0x1] =	stream.indirect_vreg.gather [hbm4b:s4+s2], $0x80, v3, vm1, $0xb8;
	[tilespmem:$0xC100] =	vst v63  }
0x33: {  	v3 =	vld [tilespmem:$0xC010];
	_ =	sdelay $0x4  }
0x34: {  	v57 =	vshrl.u32 v3, $0x3  }
0x35: {  	v4 =	vmul.u32 $0x18, v57  }
0x36: {  	v3 =	vand.u32 $0x7, v3  }
0x37: {  	v3 =	vor.u32 v3, v4  }
0x38: {  	v4 =	vperm.xlane v3, v0;
	_ =	sdelay $0x1  }
0x39: {  	v4 =	vadd.s32 v1, v4;
	_ =	sdelay $0x1  }
0x3a: {  	v3 =	vperm.xlane v3, v2;
	_ =	sdelay $0x1  }
0x3b: {  	s0 =	rddreg [dreg:$0xb];
	v3 =	vadd.s32 v1, v3  }
0x3c: {  	[tilespmem:s0], [sflag:$0x1] =	stream.indirect_vreg.gather [hbm4b:s3+s2], $0x80, v4, vm0, $0xb8;
	[tilespmem:$0xC100] =	vst v63  }
0x3d: {  	s7 =	rddreg [dreg:$0xc]  }
0x3e: {  	[tilespmem:s7], [sflag:$0x1] =	stream.indirect_vreg.gather [hbm4b:s4+s2], $0x80, v4, vm1, $0xb8;
	[tilespmem:$0xC100] =	vst v63  }
0x3f: {  	s0 =	rddreg [dreg:$0xd]  }
0x40: {  	[tilespmem:s0], [sflag:$0x1] =	stream.indirect_vreg.gather [hbm4b:s3+s2], $0x80, v3, vm0, $0xb8;
	[tilespmem:$0xC100] =	vst v63  }
0x41: {  	s7 =	rddreg [dreg:$0xe]  }
0x42: {  	[tilespmem:s7], [sflag:$0x1] =	stream.indirect_vreg.gather [hbm4b:s4+s2], $0x80, v3, vm1, $0xb8;
	[tilespmem:$0xC100] =	vst v63  }
0x43: {  	v3 =	vld [tilespmem:$0xC020];
	_ =	sdelay $0x4  }
0x44: {  	v58 =	vshrl.u32 v3, $0x3  }
0x45: {  	v4 =	vmul.u32 $0x18, v58  }
0x46: {  	v3 =	vand.u32 $0x7, v3  }
0x47: {  	v3 =	vor.u32 v3, v4  }
0x48: {  	v4 =	vperm.xlane v3, v0;
	_ =	sdelay $0x1  }
0x49: {  	v4 =	vadd.s32 v1, v4;
	_ =	sdelay $0x1  }
0x4a: {  	v3 =	vperm.xlane v3, v2;
	_ =	sdelay $0x1  }
0x4b: {  	s7 =	simm.s32 $0x3000;
	v3 =	vadd.s32 v1, v3  }
0x4c: {  	[tilespmem:s7], [sflag:$0x1] =	stream.indirect_vreg.gather [hbm4b:s3+s2], $0x80, v4, vm0, $0xb8;
	[tilespmem:$0xC100] =	vst v63  }
0x4d: {  	_ = 	snop  }
0x4e: {  	[tilespmem:s8], [sflag:$0x1] =	stream.indirect_vreg.gather [hbm4b:s4+s2], $0x80, v4, vm1, $0xb8;
	[tilespmem:$0xC100] =	vst v63  }
0x4f: {  	_ = 	snop  }
0x50: {  	[tilespmem:s9], [sflag:$0x1] =	stream.indirect_vreg.gather [hbm4b:s3+s2], $0x80, v3, vm0, $0xb8;
	[tilespmem:$0xC100] =	vst v63  }
0x51: {  	_ = 	snop  }
0x52: {  	[tilespmem:s10], [sflag:$0x1] =	stream.indirect_vreg.gather [hbm4b:s4+s2], $0x80, v3, vm1, $0xb8;
	[tilespmem:$0xC100] =	vst v63  }
0x53: {  	v3 =	vld [tilespmem:$0xC030];
	_ =	sdelay $0x4  }
0x54: {  	v59 =	vshrl.u32 v3, $0x3  }
0x55: {  	v4 =	vmul.u32 $0x18, v59  }
0x56: {  	v3 =	vand.u32 $0x7, v3  }
0x57: {  	v3 =	vor.u32 v3, v4  }
0x58: {  	v4 =	vperm.xlane v3, v0;
	_ =	sdelay $0x1  }
0x59: {  	v4 =	vadd.s32 v1, v4;
	_ =	sdelay $0x1  }
0x5a: {  	v3 =	vperm.xlane v3, v2;
	_ =	sdelay $0x1  }
0x5b: {  	v3 =	vadd.s32 v1, v3  }
0x5c: {  	[tilespmem:s11], [sflag:$0x1] =	stream.indirect_vreg.gather [hbm4b:s3+s2], $0x80, v4, vm0, $0xb8;
	[tilespmem:$0xC100] =	vst v63  }
0x5d: {  	_ = 	snop  }
0x5e: {  	[tilespmem:s12], [sflag:$0x1] =	stream.indirect_vreg.gather [hbm4b:s4+s2], $0x80, v4, vm1, $0xb8;
	[tilespmem:$0xC100] =	vst v63  }
0x5f: {  	_ = 	snop  }
0x60: {  	[tilespmem:s13], [sflag:$0x1] =	stream.indirect_vreg.gather [hbm4b:s3+s2], $0x80, v3, vm0, $0xb8;
	[tilespmem:$0xC100] =	vst v63  }
0x61: {  	_ = 	snop  }
0x62: {  	[tilespmem:s14], [sflag:$0x1] =	stream.indirect_vreg.gather [hbm4b:s4+s2], $0x80, v3, vm1, $0xb8;
	[tilespmem:$0xC100] =	vst v63  }
0x63: {  	v3 =	vld [tilespmem:$0xC080];
	_ =	sdelay $0x4  }
0x64: {  	v60 =	vshrl.u32 v3, $0x3  }
0x65: {  	v4 =	vmul.u32 $0x18, v60  }
0x66: {  	v3 =	vand.u32 $0x7, v3  }
0x67: {  	v3 =	vor.u32 v3, v4  }
0x68: {  	v4 =	vperm.xlane v3, v0;
	_ =	sdelay $0x1  }
0x69: {  	v4 =	vadd.s32 v1, v4;
	_ =	sdelay $0x1  }
0x6a: {  	v3 =	vperm.xlane v3, v2;
	_ =	sdelay $0x1  }
0x6b: {  	v3 =	vadd.s32 v1, v3  }
0x6c: {  	[tilespmem:s15], [sflag:$0x1] =	stream.indirect_vreg.gather [hbm4b:s3+s2], $0x80, v4, vm0, $0xb8;
	[tilespmem:$0xC100] =	vst v63  }
0x6d: {  	_ = 	snop  }
0x6e: {  	[tilespmem:s16], [sflag:$0x1] =	stream.indirect_vreg.gather [hbm4b:s4+s2], $0x80, v4, vm1, $0xb8;
	[tilespmem:$0xC100] =	vst v63  }
0x6f: {  	_ = 	snop  }
0x70: {  	[tilespmem:s17], [sflag:$0x1] =	stream.indirect_vreg.gather [hbm4b:s3+s2], $0x80, v3, vm0, $0xb8;
	[tilespmem:$0xC100] =	vst v63  }
0x71: {  	_ = 	snop  }
0x72: {  	[tilespmem:s18], [sflag:$0x1] =	stream.indirect_vreg.gather [hbm4b:s4+s2], $0x80, v3, vm1, $0xb8;
	[tilespmem:$0xC100] =	vst v63  }
0x73: {  	v3 =	vld [tilespmem:$0xC090];
	_ =	sdelay $0x4  }
0x74: {  	v61 =	vshrl.u32 v3, $0x3  }
0x75: {  	v4 =	vmul.u32 $0x18, v61  }
0x76: {  	v3 =	vand.u32 $0x7, v3  }
0x77: {  	v3 =	vor.u32 v3, v4  }
0x78: {  	v4 =	vperm.xlane v3, v0;
	_ =	sdelay $0x1  }
0x79: {  	v4 =	vadd.s32 v1, v4;
	_ =	sdelay $0x1  }
0x7a: {  	v3 =	vperm.xlane v3, v2;
	_ =	sdelay $0x1  }
0x7b: {  	v3 =	vadd.s32 v1, v3  }
0x7c: {  	[tilespmem:s19], [sflag:$0x1] =	stream.indirect_vreg.gather [hbm4b:s3+s2], $0x80, v4, vm0, $0xb8;
	[tilespmem:$0xC100] =	vst v63  }
0x7d: {  	_ = 	snop  }
0x7e: {  	[tilespmem:s20], [sflag:$0x1] =	stream.indirect_vreg.gather [hbm4b:s4+s2], $0x80, v4, vm1, $0xb8;
	[tilespmem:$0xC100] =	vst v63  }
0x7f: {  	_ = 	snop  }
0x80: {  	[tilespmem:s21], [sflag:$0x1] =	stream.indirect_vreg.gather [hbm4b:s3+s2], $0x80, v3, vm0, $0xb8;
	[tilespmem:$0xC100] =	vst v63  }
0x81: {  	_ = 	snop  }
0x82: {  	[tilespmem:s22], [sflag:$0x1] =	stream.indirect_vreg.gather [hbm4b:s4+s2], $0x80, v3, vm1, $0xb8;
	[tilespmem:$0xC100] =	vst v63  }
0x83: {  	v3 =	vld [tilespmem:$0xC0A0];
	_ =	sdelay $0x4  }
0x84: {  	v62 =	vshrl.u32 v3, $0x3  }
0x85: {  	v4 =	vmul.u32 $0x18, v62  }
0x86: {  	v3 =	vand.u32 $0x7, v3  }
0x87: {  	v3 =	vor.u32 v3, v4  }
0x88: {  	v4 =	vperm.xlane v3, v0;
	_ =	sdelay $0x1  }
0x89: {  	v4 =	vadd.s32 v1, v4;
	_ =	sdelay $0x1  }
0x8a: {  	v3 =	vperm.xlane v3, v2;
	_ =	sdelay $0x1  }
0x8b: {  	v3 =	vadd.s32 v1, v3  }
0x8c: {  	[tilespmem:s23], [sflag:$0x1] =	stream.indirect_vreg.gather [hbm4b:s3+s2], $0x80, v4, vm0, $0xb8;
	[tilespmem:$0xC100] =	vst v63  }
0x8d: {  	_ = 	snop  }
0x8e: {  	[tilespmem:s24], [sflag:$0x1] =	stream.indirect_vreg.gather [hbm4b:s4+s2], $0x80, v4, vm1, $0xb8;
	[tilespmem:$0xC100] =	vst v63  }
0x8f: {  	_ = 	snop  }
0x90: {  	[tilespmem:s25], [sflag:$0x1] =	stream.indirect_vreg.gather [hbm4b:s3+s2], $0x80, v3, vm0, $0xb8;
	[tilespmem:$0xC100] =	vst v63  }
0x91: {  	_ = 	snop  }
0x92: {  	[tilespmem:s26], [sflag:$0x1] =	stream.indirect_vreg.gather [hbm4b:s4+s2], $0x80, v3, vm1, $0xb8;
	[tilespmem:$0xC100] =	vst v63  }
0x93: {  	v3 =	vld [tilespmem:$0xC0B0];
	_ =	sdelay $0x4  }
0x94: {  	v63 =	vshrl.u32 v3, $0x3  }
0x95: {  	v4 =	vmul.u32 $0x18, v63  }
0x96: {  	v3 =	vand.u32 $0x7, v3  }
0x97: {  	v3 =	vor.u32 v3, v4  }
0x98: {  	v4 =	vperm.xlane v3, v0;
	_ =	sdelay $0x1  }
0x99: {  	v4 =	vadd.s32 v1, v4;
	_ =	sdelay $0x1  }
0x9a: {  	v3 =	vperm.xlane v3, v2;
	_ =	sdelay $0x1  }
0x9b: {  	v3 =	vadd.s32 v1, v3  }
0x9c: {  	[tilespmem:s28], [sflag:$0x1] =	stream.indirect_vreg.gather [hbm4b:s3+s2], $0x80, v4, vm0, $0xb8;
	[tilespmem:$0xC100] =	vst v63  }
0x9d: {  	_ = 	snop  }
0x9e: {  	[tilespmem:s29], [sflag:$0x1] =	stream.indirect_vreg.gather [hbm4b:s4+s2], $0x80, v4, vm1, $0xb8;
	[tilespmem:$0xC100] =	vst v63  }
0x9f: {  	_ = 	snop  }
0xa0: {  	[tilespmem:s30], [sflag:$0x1] =	stream.indirect_vreg.gather [hbm4b:s3+s2], $0x80, v3, vm0, $0xb8;
	[tilespmem:$0xC100] =	vst v63  }
0xa1: {  	_ = 	snop  }
0xa2: {  	[tilespmem:s31], [sflag:$0x1] =	stream.indirect_vreg.gather [hbm4b:s4+s2], $0x80, v3, vm1, $0xb8;
	[tilespmem:$0xC100] =	vst v63  }
0xa3: {  	_ =	swait.ge [sflag:s1], $0x6000  }
0xa4: {  	[sflag:s1] =	ssyncset.done $0x0  }
0xa5: {  	[sflag:s1] =	ssyncadd.s32 $0xFFFFA000  }
0xa6: {  	_ =	swait.ge [sflag:s1], $0x6000  }
0xa7: {  	[sflag:s1] =	ssyncset.done $0x0  }
0xa8: {  	s7 =	rddreg [dreg:$0x4];
	[sflag:s1] =	ssyncadd.s32 $0xFFFFA000  }
0xa9: {  	[hbm4b:s7+s2] =	stream.linear.scatter [tilespmem:s2], [sflag:$0x2], $0x6000, $0x38;
	[tilespmem:$0xC100] =	vst v63  }
0xaa: {  	_ =	swait.ge [sflag:s6], $0x6000  }
0xab: {  	p0 =	sne.s32 s5, $0x1;
	[sflag:s6] =	ssyncset.done $0x0  }
.Ltmp0:
0xac: {  	s7 =	rddreg [dreg:$0x5];
	[sflag:s6] =	ssyncadd.s32 $0xFFFFA000;
	(pc) =	sbr.rel @p0 .LBB2_1-.Ltmp0, $4  }
0xad: {  	[hbm4b:s7+s2] =	stream.linear.scatter [tilespmem:s15], [sflag:$0x2], $0x6000, $0x38;
	[tilespmem:$0xC100] =	vst v63  }
0xae: {  	_ =	swait.ge [sflag:s6], $0x6000  }
0xaf: {  	[sflag:s6] =	ssyncset.done $0x0  }
0xb0: {  	s5 =	sadd.s32 $0xFFFFFFFF, s5;
	[sflag:s6] =	ssyncadd.s32 $0xFFFFA000  }
0xb1: {  	_ =	sfence.sel $0x180000  }
0xb2: {  	[bflag:$0x0] =	sbarrier.arrive $0xFFFF  }
0xb3: {  	_ =	strace $0x9000004A  }
0xb4: {  	s0 =	stileid.u32;
	[bflag:$0x2] =	sbarrier.arrive $0xFFFF  }
0xb5: {  	p0 =	sne.s32 s0, $0x0;
	s0 =	rddreg [dreg:$0x1]  }
0xb6: {  	s0 =	sadd.s32 @!p0 $0x100000, s0  }
0xb7: {  	[sflag:s0] =	ssyncadd.tile.s32 @!p0 $0x1;
	_ =	shalt  }
.Lfunc_end2:
_tile_overlayer_lowered:
.L_overlay_start_2:
0xb8: {  	(tag) =	ssettag $0x2  }
0xb9: {  	s0 =	rddreg [dreg:$0x0];
	s2 =	stileid.u32  }
0xba: {  	s1 =	rddreg [dreg:$0x1];
	p0 =	sne.s32 s2, $0x0  }
0xbb: {  	s3 =	rddreg [dreg:$0x2];
	[bflag:$0x3] =	sbarrier.arrive $0xFFFF;
	s2 =	simm.s32 @!p0 $0x1C02  }
0xbc: {  	[timem:s3], [sflag:s2] =	dma.local @!p0 [hbm:s0], s1  }
0xbd: {  	s0 =	simm.s32 @!p0 $0x2  }
0xbe: {  	_ =	swait.ge @!p0 [sflag:s0], s1  }
0xbf: {  	s1 =	ssub.s32 @!p0 $0x0, s1;
	[sflag:s0] =	ssyncset.done @!p0 $0x0  }
0xc0: {  	[sflag:s0] =	ssyncadd.s32 @!p0 s1  }
0xc1: {  	[bflag:$0x3] =	sbarrier.arrive $0xFFFF  }
0xc2: {  	_ =	shalt  }

// kernel: kernel.7.cloned.1.call-start
scs
__scs_entry_jumppad:
0x0: {  	(pc) =	sbr.rel $0x88, $3  }
0x1: {  	(tag) =	ssettag $0x0;
	lr =	simm.s32 $0x1  }
0x2: {  	[smem:$0x3F9A] =	sst lr;
	_ =	strace $0xD0000000  }
0x3: {  	_ = 	snop  }
0x4: {  	_ = 	snop  }
0x5: {  	_ = 	snop  }
0x6: {  	_ = 	snop  }
0x7: {  	_ = 	snop  }
__scs_overlays_trampoline_lowered:
0x8: {  	[smem:$0x3FA9] =	sst s0  }
0x9: {  	[smem:$0x3FAA] =	sst s1  }
0xa: {  	[smem:$0x3FAB] =	sst s2  }
0xb: {  	[smem:$0x3FAC] =	sst s3  }
0xc: {  	[smem:$0x3FAD] =	sst s4  }
0xd: {  	[smem:$0x3FAE] =	sst s5  }
0xe: {  	[smem:$0x3FAF] =	sst s6  }
0xf: {  	[smem:$0x3FB0] =	sst s7  }
0x10: {  	[smem:$0x3FB1] =	sst s8  }
0x11: {  	[smem:$0x3FB2] =	sst s9;
	s0 =	simm.s32 @!p0 $0x0  }
0x12: {  	s1 =	sld [smem:$0x3F98];
	s0 =	simm.s32 @p0 $0x1  }
0x13: {  	[smem:$0x3FB3] =	sst s0;
	s0 =	simm.s32 @!p1 $0x0  }
0x14: {  	s2 =	sld [smem:$0x3F97];
	s0 =	simm.s32 @p1 $0x1  }
0x15: {  	[smem:$0x3FB4] =	sst s0;
	s0 =	simm.s32 @!p2 $0x0  }
0x16: {  	s3 =	sld [smem:$0x3FDB];
	s0 =	simm.s32 @p2 $0x1  }
0x17: {  	s4 =	simm.s32 $0x1BF5;
	[smem:$0x3FB6] =	sst s0  }
0x18: {  	s0 =	sld [smem:$0x3F99];
	_ =	swait.ge [sflag:s4], $0x0  }
0x19: {  	s7 =	sld [smem:$0x3F9A]  }
0x1a: {  	s8 =	sadd.s32 $0xFFFFE003, lr  }
0x1b: {  	s9 =	sadd.s32 $0xFFFFFEF7, lr;
	s5 =	simm.s32 $0xFFFFFFFF;
	p2 =	slt.u32 s8, $0xFFFFF086  }
0x1c: {  	p1 =	slt.u32 s9, $0xF7A;
	s5 =	simm.s32 @!p2 $0x0  }
0x1d: {  	s5 =	simm.s32 @p1 $0x1;
	p0 =	seq.s32 s7, s2  }
0x1e: {  	s7 =	smul.u32 @!p0 $0xF7A, s2;
	p2 =	seq.s32 @!p0 s5, $0x0  }
0x1f: {  	s9 =	smul.u32 $0xF7A, s1;
	s8 =	simm.s32 @!p0 $0x1BF5;
	p2 =	por !p2, p0  }
0x20: {  	[sflag:s8] =	ssyncset.s32 @!p0 $0xFFFFF086;
	s6 =	sadd.s32 @!p0 s3, s7;
	s7 =	simm.s32 @!p0 $0x108  }
0x21: {  	s3 =	sadd.s32 s3, s9;
	s6 =	sadd.s32 @!p0 $0x88, s6;
	s7 =	simm.s32 @p2 $0x1082  }
0x22: {  	[simem:s7], [sflag:s8] =	dma.local @!p0 [hbm:s6], $0xF7A  }
0x23: {  	s9 =	sor.u32 $0xD0000000, s2;
	s6 =	simm.s32 $0x108;
	_ =	swait.ge @!p0 [sflag:s8], $0x0  }
0x24: {  	s3 =	sadd.s32 $0x88, s3;
	s6 =	simm.s32 @!p1 $0x1082;
	[sflag:s4] =	ssyncset.s32 $0xFFFFF086  }
0x25: {  	[simem:s6], [sflag:s4] =	dma.local [hbm:s3], $0xF7A  }
0x26: {  	[smem:$0x3F9A] =	sst s1;
	(tag) =	ssettag s2;
	_ =	strace s9  }
0x27: {  	s1 =	sld [smem:$0x3FAA]  }
0x28: {  	s2 =	sld [smem:$0x3FAB]  }
0x29: {  	s4 =	sld [smem:$0x3FAD]  }
0x2a: {  	p0 =	seq.s32 s5, $0x0;
	s5 =	sld [smem:$0x3FAE]  }
0x2b: {  	s6 =	sld [smem:$0x3FAF]  }
0x2c: {  	s7 =	sld [smem:$0x3FB0]  }
0x2d: {  	s3 =	simm.s32 $0x108;
	s8 =	sld [smem:$0x3FB1]  }
0x2e: {  	s3 =	simm.s32 @!p0 $0x1082;
	s9 =	sld [smem:$0x3FB2]  }
0x2f: {  	lr =	sadd.s32 s0, s3;
	s0 =	sld [smem:$0x3FA9]  }
0x30: {  	s3 =	sld [smem:$0x3FAC]  }
0x31: {  	[smem:$0x3FB5] =	sst s10  }
0x32: {  	s10 =	sld [smem:$0x3FB3];
	_ =	sdelay $0x3  }
0x33: {  	p0 =	seq.s32 s10, $0x1;
	s10 =	sld [smem:$0x3FB5];
	_ =	sdelay $0x3  }
0x34: {  	[smem:$0x3FB5] =	sst s10  }
0x35: {  	s10 =	sld [smem:$0x3FB4];
	_ =	sdelay $0x3  }
0x36: {  	p1 =	seq.s32 s10, $0x1;
	s10 =	sld [smem:$0x3FB5];
	_ =	sdelay $0x3  }
0x37: {  	[smem:$0x3FB5] =	sst s10  }
0x38: {  	s10 =	sld [smem:$0x3FB6]  }
0x39: {  	_ = 	snop;
	(pc) =	sbr.ind lr, $3  }
0x3a: {  	_ = 	snop  }
0x3b: {  	_ = 	snop  }
0x3c: {  	p2 =	seq.s32 s10, $0x1;
	s10 =	sld [smem:$0x3FB5]  }
0x3d: {  	_ =	shalt  }
0x3e: {  	_ =	shalt  }
0x3f: {  	_ =	shalt  }
0x40: {  	_ =	shalt  }
0x41: {  	_ =	shalt  }
0x42: {  	_ =	shalt  }
0x43: {  	_ =	shalt  }
0x44: {  	_ =	shalt  }
0x45: {  	_ =	shalt  }
0x46: {  	_ =	shalt  }
0x47: {  	_ =	shalt  }
0x48: {  	_ =	shalt  }
0x49: {  	_ =	shalt  }
0x4a: {  	_ =	shalt  }
0x4b: {  	_ =	shalt  }
0x4c: {  	_ =	shalt  }
0x4d: {  	_ =	shalt  }
0x4e: {  	_ =	shalt  }
0x4f: {  	_ =	shalt  }
0x50: {  	_ =	shalt  }
0x51: {  	_ =	shalt  }
0x52: {  	_ =	shalt  }
0x53: {  	_ =	shalt  }
0x54: {  	_ =	shalt  }
0x55: {  	_ =	shalt  }
0x56: {  	_ =	shalt  }
0x57: {  	_ =	shalt  }
0x58: {  	_ =	shalt  }
0x59: {  	_ =	shalt  }
0x5a: {  	_ =	shalt  }
0x5b: {  	_ =	shalt  }
0x5c: {  	_ =	shalt  }
0x5d: {  	_ =	shalt  }
0x5e: {  	_ =	shalt  }
0x5f: {  	_ =	shalt  }
0x60: {  	_ =	shalt  }
0x61: {  	_ =	shalt  }
0x62: {  	_ =	shalt  }
0x63: {  	_ =	shalt  }
0x64: {  	_ =	shalt  }
0x65: {  	_ =	shalt  }
0x66: {  	_ =	shalt  }
0x67: {  	_ =	shalt  }
0x68: {  	_ =	shalt  }
0x69: {  	_ =	shalt  }
0x6a: {  	_ =	shalt  }
0x6b: {  	_ =	shalt  }
0x6c: {  	_ =	shalt  }
0x6d: {  	_ =	shalt  }
0x6e: {  	_ =	shalt  }
0x6f: {  	_ =	shalt  }
0x70: {  	_ =	shalt  }
0x71: {  	_ =	shalt  }
0x72: {  	_ =	shalt  }
0x73: {  	_ =	shalt  }
0x74: {  	_ =	shalt  }
0x75: {  	_ =	shalt  }
0x76: {  	_ =	shalt  }
0x77: {  	_ =	shalt  }
0x78: {  	_ =	shalt  }
0x79: {  	_ =	shalt  }
0x7a: {  	_ =	shalt  }
0x7b: {  	_ =	shalt  }
0x7c: {  	_ =	shalt  }
0x7d: {  	_ =	shalt  }
0x7e: {  	_ =	shalt  }
0x7f: {  	_ =	shalt  }
0x80: {  	_ =	shalt  }
0x81: {  	_ =	shalt  }
0x82: {  	_ =	shalt  }
0x83: {  	_ =	shalt  }
0x84: {  	_ =	shalt  }
0x85: {  	_ =	shalt  }
0x86: {  	_ =	shalt  }
0x87: {  	_ =	shalt  }
.Lfunc_end0:
.L_simem_size_0:
called_computation_lowered:
.L_overlay_start_0:
0x88: {  	s2 =	sld [smem:$0x3FD9]  }
0x89: {  	s3 =	sld [smem:$0x3FFE];
	_ =	sdelay $0x1  }
0x8a: {  	s1 =	srdreg.scid  }
0x8b: {  	s0 =	sand.u32 $0x1, s1  }
0x8c: {  	s17 =	sshll.u32 s0, $0xA;
	s2 =	sadd.s32 s3, s2  }
0x8d: {  	s2 =	sadd.s32 s2, s17  }
0x8e: {  	[smem:$0x3FC1] =	sst s2  }
0x8f: {  	_ = 	snop  }
0x90: {  	s2 =	sld [smem:$0x3FD0];
	(tm) =	ssettm $0x1  }
0x91: {  	s18 =	sld [smem:$0x3FFB];
	_ =	sdelay $0x3  }
0x92: {  	_ =	strace s18  }
0x93: {  	s3 =	sld [smem:$0x3FFC];
	_ =	sdelay $0x3  }
0x94: {  	_ =	strace s3  }
0x95: {  	s3 =	sld [smem:$0x3FFD];
	_ =	sdelay $0x3  }
0x96: {  	_ =	strace s3  }
0x97: {  	_ =	strace $0x8FFFFFFF  }
0x98: {  	s19 =	sld [smem:$0x3FDB];
	_ =	sdelay $0x1  }
0x99: {  	s4 =	simm.s32 $_scs_section_size  }
0x9a: {  	s5 =	simm.s32 $_size__tile_overlayer_lowered;
	s6 =	simm.s32 $_tile_overlayer_lowered  }
0x9b: {  	s22 =	simm.s32 $0x1BFF;
	s21 =	sshll.u32 s6, $0x1;
	s3 =	sadd.s32 s4, s19  }
0x9c: {  	s7 =	simm.s32 $0x0;
	s20 =	sshll.u32 s5, $0x1;
	s5 =	sadd.s32 s21, s3  }
0x9d: {  	[timem:s7], [sflag:s22] =	dma.local [hbm:s5], s20  }
0x9e: {  	_ =	swait.ge [sflag:s22], s20  }
0x9f: {  	s4 =	ssub.s32 $0x0, s20;
	[sflag:s22] =	ssyncset.done $0x0  }
0xa0: {  	[sflag:s22] =	ssyncadd.s32 s4;
	_ =	sdelay $0x1  }
0xa1: {  	s23 =	simm.s32 $0x1B8B  }
0xa2: {  	_ =	swait.ge [sflag:s23], $0x1  }
0xa3: {  	[sflag:s23] =	ssyncset.done $0x0  }
0xa4: {  	s25 =	simm.s32 $0x1B8E;
	s24 =	sld [smem:$0x3FFE];
	[sflag:s23] =	ssyncadd.s32 $0xFFFFFFFF  }
0xa5: {  	s26 =	simm.s32 $execute0_lowered;
	[smem:$0x3FD2] =	sst s25  }
0xa6: {  	s5 =	sshll.u32 s26, $0x1;
	_ =	strace $0x80000046;
	[dreg:$0x1] =	wrdreg $0xFFFFFFFF  }
0xa7: {  	s28 =	simm.s32 $_size_execute0_lowered;
	s3 =	sadd.s32 s3, s5;
	[dreg:$0x0] =	wrdreg $0x0  }
0xa8: {  	s5 =	sshll.u32 s28, $0x1;
	[dreg:$0x2] =	wrdreg s3  }
0xa9: {  	[dreg:$0x3] =	wrdreg s5  }
0xaa: {  	[dreg:$0x4] =	wrdreg $0xC0  }
0xab: {  	_ =	task [dreg:s7], $0x5FFFF  }
0xac: {  	[dreg:$0x1] =	wrdreg $0xFFFFFFFF  }
0xad: {  	[dreg:$0x0] =	wrdreg $0x60  }
0xae: {  	[dreg:$0x2] =	wrdreg s2  }
0xaf: {  	[dreg:$0x3] =	wrdreg s24  }
0xb0: {  	[dreg:$0x4] =	wrdreg $0x9  }
0xb1: {  	_ =	task.clear_ibuf [dreg:s7], $0x5FFFF;
	_ =	strace $0x90000046  }
0xb2: {  	s29 =	simm.s32 $0x9;
	_ =	strace $0x80000048  }
0xb3: {  	_ =	swait.ge [sflag:s29], $0x1  }
0xb4: {  	[sflag:s29] =	ssyncadd.s32 $0xFFFFFFFF  }
0xb5: {  	_ =	strace $0x90000048  }
0xb6: {  	_ =	sfence  }
0xb7: {  	s30 =	sld [smem:$0x0];
	_ =	sdelay $0x2  }
0xb8: {  	s31 =	sshll.u32 s1, $0xD;
	s1 =	sshrl.u32 s1, $0x2  }
0xb9: {  	s3 =	sand.u32 $0x4000, s31;
	s1 =	sadd.s32 s1, s30  }
0xba: {  	s0 =	sor.u32 s3, s0;
	s1 =	sshll.u32 s1, $0x11  }
0xbb: {  	s0 =	sor.u32 s1, s0  }
0xbc: {  	s0 =	sadd.s32 $0x8F2B, s0  }
0xbd: {  	[sflag:s0] =	ssyncadd.remote.s32 $0x1  }
0xbe: {  	_ =	sfence.sel $0xFFFF  }
0xbf: {  	[dreg:$0x0] =	wrdreg $0xFFFFFFFF;
	(pc) =	sbr.abs _section_cstart, $3  }
0xc0: {  	[dreg:$0x1] =	wrdreg $0xFFFFFFFF  }
0xc1: {  	_ =	task.clear_ibuf [dreg:s7], $0x2FFFF;
	_ =	strace $0x9FFFFFFF  }
0xc2: {  	(tm) =	ssettm $0x7FFFFFFF  }
0xc3: {  	_ =	shalt  }
tec
execute0_lowered:
.L_overlay_start_1:
0x0: {  	(tag) =	ssettag $0x1  }
0x1: {  	s4 =	rddreg [dreg:$0x0]  }
0x2: {  	s7 =	rddreg [dreg:$0x1];
	s2 =	srdreg.scid  }
0x3: {  	s0 =	rddreg [dreg:$0x2];
	s1 =	stileid.u32;
	s11 =	simm.s32 $0x6080  }
0x4: {  	s12 =	simm.s32 $0x800;
	s13 =	simm.s32 $0xC00;
	s14 =	simm.s32 $0x1400  }
0x5: {  	s15 =	simm.s32 $0x1800;
	s16 =	simm.s32 $0x2000;
	s17 =	simm.s32 $0x2400  }
0x6: {  	s18 =	simm.s32 $0x2C00;
	s19 =	simm.s32 $0x3000;
	s20 =	simm.s32 $0x3800  }
0x7: {  	s21 =	simm.s32 $0x3C00;
	s22 =	simm.s32 $0x4400;
	s23 =	simm.s32 $0x4800  }
0x8: {  	s24 =	simm.s32 $0x5000;
	s25 =	simm.s32 $0x5400;
	s26 =	simm.s32 $0x5C00  }
0x9: {  	s28 =	simm.s32 $0x1;
	s3 =	sand.u32 $0x1, s2;
	s2 =	simm.s32 $0x0  }
0xa: {  	s5 =	sshll.u32 s1, $0x4;
	s6 =	sshll.u32 s3, $0x3;
	[smem:$0x7FF] =	sst s2  }
0xb: {  	s31 =	ssub.s32 $0x2, s3;
	s3 =	sadd.s32 $0x1600, s7;
	s5 =	sor.u32 s6, s5  }
0xc: {  	_ =	strace $0x80000047;
	s8 =	sshrl.u32 s31, $0x1;
	s9 =	smul.u32 $0x180, s5  }
0xd: {  	v2 =	vlaneseq.u32;
	s10 =	sadd.s32 s5, s7;
	s8 =	ssub.s32 s31, s8;
	s7 =	sadd.s32 $0x1700, s7  }
0xe: {  	vm0 =	vmmov $0xffff;
	vm1 =	vmmov $0xff;
	v1 =	vshrl.u32 v2, $0x3;
	s5 =	sadd.s32 $0x1400, s10;
	s6 =	sadd.s32 $0x1200, s10;
	s8 =	smax.u32 s8, $0x1  }
0xf: {  	v0 =	vand.u32 $0x7, v2;
	v2 =	vor.u32 $0x8, v2;
	v1 =	vmul.u32 $0x8, v1;
	s10 =	simm.s32 $0x6000;
	s4 =	sadd.s32 s4, s9;
	s9 =	simm.s32 $0x2  }
.LBB2_1:
0x10: {  	[tilespmem:s2], [sflag:$0x2] =	stream.linear.gather [hbm4b:s4+s2], $0x6000, $0x38;
	[tilespmem:$0x6100] =	vst v63  }
0x11: {  	_ =	swait.ge [sflag:s9], $0x6000  }
0x12: {  	[sflag:s9] =	ssyncset.done $0x0  }
0x13: {  	[sflag:s9] =	ssyncadd.s32 $0xFFFFA000  }
0x14: {  	[tilespmem:s10], [sflag:$0x2] =	stream.linear.gather [hbm4b:s5+s2], $0x40, $0x38;
	[tilespmem:$0x6100] =	vst v63  }
0x15: {  	_ =	swait.ge [sflag:s9], $0x40  }
0x16: {  	[sflag:s9] =	ssyncset.done $0x0  }
0x17: {  	[sflag:s9] =	ssyncadd.s32 $0xFFFFFFC0  }
0x18: {  	[tilespmem:s11], [sflag:$0x2] =	stream.linear.gather [hbm4b:s6+s2], $0x40, $0x38;
	[tilespmem:$0x6100] =	vst v63  }
0x19: {  	_ =	swait.ge [sflag:s9], $0x40  }
0x1a: {  	[sflag:s9] =	ssyncset.done $0x0  }
0x1b: {  	[sflag:s9] =	ssyncadd.s32 $0xFFFFFFC0  }
0x1c: {  	v3 =	vld [tilespmem:$0x6000];
	_ =	sdelay $0x4  }
0x1d: {  	v4 =	vshrl.u32 v3, $0x3  }
0x1e: {  	v4 =	vmul.u32 $0x18, v4  }
0x1f: {  	v3 =	vand.u32 $0x7, v3  }
0x20: {  	v3 =	vor.u32 v3, v4  }
0x21: {  	v4 =	vperm.xlane v3, v0;
	_ =	sdelay $0x1  }
0x22: {  	v4 =	vadd.s32 v1, v4;
	_ =	sdelay $0x1  }
0x23: {  	v3 =	vperm.xlane v3, v2;
	_ =	sdelay $0x1  }
0x24: {  	v3 =	vadd.s32 v1, v3  }
0x25: {  	[hbm4b:s3+s2] =	stream.indirect_vreg.scatter [tilespmem:s2], [sflag:$0x1], $0x80, v4, vm0, $0xb8;
	[tilespmem:$0x6100] =	vst v63  }
0x26: {  	_ = 	snop  }
0x27: {  	[hbm4b:s7+s2] =	stream.indirect_vreg.scatter [tilespmem:s12], [sflag:$0x1], $0x80, v4, vm1, $0xb8;
	[tilespmem:$0x6100] =	vst v63  }
0x28: {  	_ = 	snop  }
0x29: {  	[hbm4b:s3+s2] =	stream.indirect_vreg.scatter [tilespmem:s13], [sflag:$0x1], $0x80, v3, vm0, $0xb8;
	[tilespmem:$0x6100] =	vst v63  }
0x2a: {  	_ = 	snop  }
0x2b: {  	[hbm4b:s7+s2] =	stream.indirect_vreg.scatter [tilespmem:s14], [sflag:$0x1], $0x80, v3, vm1, $0xb8;
	[tilespmem:$0x6100] =	vst v63  }
0x2c: {  	v3 =	vld [tilespmem:$0x6010];
	_ =	sdelay $0x4  }
0x2d: {  	v57 =	vshrl.u32 v3, $0x3  }
0x2e: {  	v4 =	vmul.u32 $0x18, v57  }
0x2f: {  	v3 =	vand.u32 $0x7, v3  }
0x30: {  	v3 =	vor.u32 v3, v4  }
0x31: {  	v4 =	vperm.xlane v3, v0;
	_ =	sdelay $0x1  }
0x32: {  	v4 =	vadd.s32 v1, v4;
	_ =	sdelay $0x1  }
0x33: {  	v3 =	vperm.xlane v3, v2;
	_ =	sdelay $0x1  }
0x34: {  	v3 =	vadd.s32 v1, v3  }
0x35: {  	[hbm4b:s3+s2] =	stream.indirect_vreg.scatter [tilespmem:s15], [sflag:$0x1], $0x80, v4, vm0, $0xb8;
	[tilespmem:$0x6100] =	vst v63  }
0x36: {  	_ = 	snop  }
0x37: {  	[hbm4b:s7+s2] =	stream.indirect_vreg.scatter [tilespmem:s16], [sflag:$0x1], $0x80, v4, vm1, $0xb8;
	[tilespmem:$0x6100] =	vst v63  }
0x38: {  	_ = 	snop  }
0x39: {  	[hbm4b:s3+s2] =	stream.indirect_vreg.scatter [tilespmem:s17], [sflag:$0x1], $0x80, v3, vm0, $0xb8;
	[tilespmem:$0x6100] =	vst v63  }
0x3a: {  	_ = 	snop  }
0x3b: {  	[hbm4b:s7+s2] =	stream.indirect_vreg.scatter [tilespmem:s18], [sflag:$0x1], $0x80, v3, vm1, $0xb8;
	[tilespmem:$0x6100] =	vst v63  }
0x3c: {  	v3 =	vld [tilespmem:$0x6020];
	_ =	sdelay $0x4  }
0x3d: {  	v58 =	vshrl.u32 v3, $0x3  }
0x3e: {  	v4 =	vmul.u32 $0x18, v58  }
0x3f: {  	v3 =	vand.u32 $0x7, v3  }
0x40: {  	v3 =	vor.u32 v3, v4  }
0x41: {  	v4 =	vperm.xlane v3, v0;
	_ =	sdelay $0x1  }
0x42: {  	v4 =	vadd.s32 v1, v4;
	_ =	sdelay $0x1  }
0x43: {  	v3 =	vperm.xlane v3, v2;
	_ =	sdelay $0x1  }
0x44: {  	v3 =	vadd.s32 v1, v3  }
0x45: {  	[hbm4b:s3+s2] =	stream.indirect_vreg.scatter [tilespmem:s19], [sflag:$0x1], $0x80, v4, vm0, $0xb8;
	[tilespmem:$0x6100] =	vst v63  }
0x46: {  	_ = 	snop  }
0x47: {  	[hbm4b:s7+s2] =	stream.indirect_vreg.scatter [tilespmem:s20], [sflag:$0x1], $0x80, v4, vm1, $0xb8;
	[tilespmem:$0x6100] =	vst v63  }
0x48: {  	_ = 	snop  }
0x49: {  	[hbm4b:s3+s2] =	stream.indirect_vreg.scatter [tilespmem:s21], [sflag:$0x1], $0x80, v3, vm0, $0xb8;
	[tilespmem:$0x6100] =	vst v63  }
0x4a: {  	_ = 	snop  }
0x4b: {  	[hbm4b:s7+s2] =	stream.indirect_vreg.scatter [tilespmem:s22], [sflag:$0x1], $0x80, v3, vm1, $0xb8;
	[tilespmem:$0x6100] =	vst v63  }
0x4c: {  	v3 =	vld [tilespmem:$0x6030];
	_ =	sdelay $0x4  }
0x4d: {  	v59 =	vshrl.u32 v3, $0x3  }
0x4e: {  	v4 =	vmul.u32 $0x18, v59  }
0x4f: {  	v3 =	vand.u32 $0x7, v3  }
0x50: {  	v3 =	vor.u32 v3, v4  }
0x51: {  	v4 =	vperm.xlane v3, v0;
	_ =	sdelay $0x1  }
0x52: {  	v4 =	vadd.s32 v1, v4;
	_ =	sdelay $0x1  }
0x53: {  	v3 =	vperm.xlane v3, v2;
	_ =	sdelay $0x1  }
0x54: {  	v3 =	vadd.s32 v1, v3  }
0x55: {  	[hbm4b:s3+s2] =	stream.indirect_vreg.scatter [tilespmem:s23], [sflag:$0x1], $0x80, v4, vm0, $0xb8;
	[tilespmem:$0x6100] =	vst v63  }
0x56: {  	_ = 	snop  }
0x57: {  	[hbm4b:s7+s2] =	stream.indirect_vreg.scatter [tilespmem:s24], [sflag:$0x1], $0x80, v4, vm1, $0xb8;
	[tilespmem:$0x6100] =	vst v63  }
0x58: {  	_ = 	snop  }
0x59: {  	[hbm4b:s3+s2] =	stream.indirect_vreg.scatter [tilespmem:s25], [sflag:$0x1], $0x80, v3, vm0, $0xb8;
	[tilespmem:$0x6100] =	vst v63  }
0x5a: {  	_ = 	snop  }
0x5b: {  	[hbm4b:s7+s2] =	stream.indirect_vreg.scatter [tilespmem:s26], [sflag:$0x1], $0x80, v3, vm1, $0xb8;
	[tilespmem:$0x6100] =	vst v63  }
0x5c: {  	v3 =	vld [tilespmem:$0x6080];
	_ =	sdelay $0x4  }
0x5d: {  	v60 =	vshrl.u32 v3, $0x3  }
0x5e: {  	v4 =	vmul.u32 $0x18, v60  }
0x5f: {  	v3 =	vand.u32 $0x7, v3  }
0x60: {  	v3 =	vor.u32 v3, v4  }
0x61: {  	v4 =	vperm.xlane v3, v0;
	_ =	sdelay $0x1  }
0x62: {  	v4 =	vadd.s32 v1, v4;
	_ =	sdelay $0x1  }
0x63: {  	v3 =	vperm.xlane v3, v2;
	_ =	sdelay $0x1  }
0x64: {  	v3 =	vadd.s32 v1, v3  }
0x65: {  	[hbm4b:s3+s2] =	stream.indirect_vreg.scatter [tilespmem:s2], [sflag:$0x1], $0x80, v4, vm0, $0xb8;
	[tilespmem:$0x6100] =	vst v63  }
0x66: {  	_ = 	snop  }
0x67: {  	[hbm4b:s7+s2] =	stream.indirect_vreg.scatter [tilespmem:s12], [sflag:$0x1], $0x80, v4, vm1, $0xb8;
	[tilespmem:$0x6100] =	vst v63  }
0x68: {  	_ = 	snop  }
0x69: {  	[hbm4b:s3+s2] =	stream.indirect_vreg.scatter [tilespmem:s13], [sflag:$0x1], $0x80, v3, vm0, $0xb8;
	[tilespmem:$0x6100] =	vst v63  }
0x6a: {  	_ = 	snop  }
0x6b: {  	[hbm4b:s7+s2] =	stream.indirect_vreg.scatter [tilespmem:s14], [sflag:$0x1], $0x80, v3, vm1, $0xb8;
	[tilespmem:$0x6100] =	vst v63  }
0x6c: {  	v3 =	vld [tilespmem:$0x6090];
	_ =	sdelay $0x4  }
0x6d: {  	v61 =	vshrl.u32 v3, $0x3  }
0x6e: {  	v4 =	vmul.u32 $0x18, v61  }
0x6f: {  	v3 =	vand.u32 $0x7, v3  }
0x70: {  	v3 =	vor.u32 v3, v4  }
0x71: {  	v4 =	vperm.xlane v3, v0;
	_ =	sdelay $0x1  }
0x72: {  	v4 =	vadd.s32 v1, v4;
	_ =	sdelay $0x1  }
0x73: {  	v3 =	vperm.xlane v3, v2;
	_ =	sdelay $0x1  }
0x74: {  	v3 =	vadd.s32 v1, v3  }
0x75: {  	[hbm4b:s3+s2] =	stream.indirect_vreg.scatter [tilespmem:s15], [sflag:$0x1], $0x80, v4, vm0, $0xb8;
	[tilespmem:$0x6100] =	vst v63  }
0x76: {  	_ = 	snop  }
0x77: {  	[hbm4b:s7+s2] =	stream.indirect_vreg.scatter [tilespmem:s16], [sflag:$0x1], $0x80, v4, vm1, $0xb8;
	[tilespmem:$0x6100] =	vst v63  }
0x78: {  	_ = 	snop  }
0x79: {  	[hbm4b:s3+s2] =	stream.indirect_vreg.scatter [tilespmem:s17], [sflag:$0x1], $0x80, v3, vm0, $0xb8;
	[tilespmem:$0x6100] =	vst v63  }
0x7a: {  	_ = 	snop  }
0x7b: {  	[hbm4b:s7+s2] =	stream.indirect_vreg.scatter [tilespmem:s18], [sflag:$0x1], $0x80, v3, vm1, $0xb8;
	[tilespmem:$0x6100] =	vst v63  }
0x7c: {  	v3 =	vld [tilespmem:$0x60A0];
	_ =	sdelay $0x4  }
0x7d: {  	v62 =	vshrl.u32 v3, $0x3  }
0x7e: {  	v4 =	vmul.u32 $0x18, v62  }
0x7f: {  	v3 =	vand.u32 $0x7, v3  }
0x80: {  	v3 =	vor.u32 v3, v4  }
0x81: {  	v4 =	vperm.xlane v3, v0;
	_ =	sdelay $0x1  }
0x82: {  	v4 =	vadd.s32 v1, v4;
	_ =	sdelay $0x1  }
0x83: {  	v3 =	vperm.xlane v3, v2;
	_ =	sdelay $0x1  }
0x84: {  	v3 =	vadd.s32 v1, v3  }
0x85: {  	[hbm4b:s3+s2] =	stream.indirect_vreg.scatter [tilespmem:s19], [sflag:$0x1], $0x80, v4, vm0, $0xb8;
	[tilespmem:$0x6100] =	vst v63  }
0x86: {  	_ = 	snop  }
0x87: {  	[hbm4b:s7+s2] =	stream.indirect_vreg.scatter [tilespmem:s20], [sflag:$0x1], $0x80, v4, vm1, $0xb8;
	[tilespmem:$0x6100] =	vst v63  }
0x88: {  	_ = 	snop  }
0x89: {  	[hbm4b:s3+s2] =	stream.indirect_vreg.scatter [tilespmem:s21], [sflag:$0x1], $0x80, v3, vm0, $0xb8;
	[tilespmem:$0x6100] =	vst v63  }
0x8a: {  	_ = 	snop  }
0x8b: {  	[hbm4b:s7+s2] =	stream.indirect_vreg.scatter [tilespmem:s22], [sflag:$0x1], $0x80, v3, vm1, $0xb8;
	[tilespmem:$0x6100] =	vst v63  }
0x8c: {  	v3 =	vld [tilespmem:$0x60B0];
	_ =	sdelay $0x4  }
0x8d: {  	v63 =	vshrl.u32 v3, $0x3  }
0x8e: {  	v4 =	vmul.u32 $0x18, v63  }
0x8f: {  	v3 =	vand.u32 $0x7, v3  }
0x90: {  	v3 =	vor.u32 v3, v4  }
0x91: {  	v4 =	vperm.xlane v3, v0;
	_ =	sdelay $0x1  }
0x92: {  	v4 =	vadd.s32 v1, v4;
	_ =	sdelay $0x1  }
0x93: {  	v3 =	vperm.xlane v3, v2;
	_ =	sdelay $0x1  }
0x94: {  	v3 =	vadd.s32 v1, v3  }
0x95: {  	[hbm4b:s3+s2] =	stream.indirect_vreg.scatter [tilespmem:s23], [sflag:$0x1], $0x80, v4, vm0, $0xb8;
	[tilespmem:$0x6100] =	vst v63  }
0x96: {  	_ = 	snop  }
0x97: {  	[hbm4b:s7+s2] =	stream.indirect_vreg.scatter [tilespmem:s24], [sflag:$0x1], $0x80, v4, vm1, $0xb8;
	[tilespmem:$0x6100] =	vst v63  }
0x98: {  	_ = 	snop  }
0x99: {  	[hbm4b:s3+s2] =	stream.indirect_vreg.scatter [tilespmem:s25], [sflag:$0x1], $0x80, v3, vm0, $0xb8;
	[tilespmem:$0x6100] =	vst v63  }
0x9a: {  	_ = 	snop  }
0x9b: {  	[hbm4b:s7+s2] =	stream.indirect_vreg.scatter [tilespmem:s26], [sflag:$0x1], $0x80, v3, vm1, $0xb8;
	[tilespmem:$0x6100] =	vst v63  }
0x9c: {  	p0 =	sne.s32 s8, $0x1;
	_ =	swait.ge [sflag:s28], $0x6000  }
.Ltmp0:
0x9d: {  	[sflag:s28] =	ssyncset.done $0x0;
	(pc) =	sbr.rel @p0 .LBB2_1-.Ltmp0, $4  }
0x9e: {  	[sflag:s28] =	ssyncadd.s32 $0xFFFFA000  }
0x9f: {  	_ =	swait.ge [sflag:s28], $0x6000  }
0xa0: {  	[sflag:s28] =	ssyncset.done $0x0  }
0xa1: {  	s8 =	sadd.s32 $0xFFFFFFFF, s8;
	[sflag:s28] =	ssyncadd.s32 $0xFFFFA000  }
0xa2: {  	_ =	sfence.sel $0x180000  }
0xa3: {  	[bflag:$0x0] =	sbarrier.arrive $0xFFFF  }
0xa4: {  	p0 =	sne.s32 s1, $0x0;
	_ =	strace $0x90000047  }
0xa5: {  	s0 =	sadd.s32 @!p0 $0x100000, s0;
	[bflag:$0x2] =	sbarrier.arrive $0xFFFF  }
0xa6: {  	[sflag:s0] =	ssyncadd.tile.s32 @!p0 $0x1;
	_ =	shalt  }
.Lfunc_end2:
_tile_overlayer_lowered:
.L_overlay_start_2:
0xa7: {  	(tag) =	ssettag $0x2  }
0xa8: {  	s0 =	rddreg [dreg:$0x0];
	s2 =	stileid.u32  }
0xa9: {  	s1 =	rddreg [dreg:$0x1];
	p0 =	sne.s32 s2, $0x0  }
0xaa: {  	s3 =	rddreg [dreg:$0x2];
	[bflag:$0x3] =	sbarrier.arrive $0xFFFF;
	s2 =	simm.s32 @!p0 $0x1C02  }
0xab: {  	[timem:s3], [sflag:s2] =	dma.local @!p0 [hbm:s0], s1  }
0xac: {  	s0 =	simm.s32 @!p0 $0x2  }
0xad: {  	_ =	swait.ge @!p0 [sflag:s0], s1  }
0xae: {  	s1 =	ssub.s32 @!p0 $0x0, s1;
	[sflag:s0] =	ssyncset.done @!p0 $0x0  }
0xaf: {  	[sflag:s0] =	ssyncadd.s32 @!p0 s1  }
0xb0: {  	[bflag:$0x3] =	sbarrier.arrive $0xFFFF  }
0xb1: {  	_ =	shalt  }

</sc_bundles>
